<compile_context>
chip_gen: v7x
topology: tpu7x:2x2x1
jax: 0.10.2.dev20260603
libtpu: 0.0.44.dev20260713+nightly
codegen_flags: <defaults>
</compile_context>

<pallas_src>
import functools

import jax
import jax.numpy as jnp
from jax import lax
from jax.experimental import pallas as pl
from jax.experimental.pallas import tpu as pltpu
from jax.experimental.pallas import tpu_sc as plsc

NUM_CORES = 2
NUM_SUBCORES = 16
NUM_WORKERS = NUM_CORES * NUM_SUBCORES
NBUF = 4


def _make_lookup(batch: int, text: int, dim: int, rows_per_chunk: int):
  assert batch % NUM_WORKERS == 0
  rows_per_w = batch // NUM_WORKERS
  assert rows_per_w % (NBUF * rows_per_chunk) == 0
  chunk = rows_per_chunk * text
  n_chunks = rows_per_w // rows_per_chunk
  n_groups = n_chunks // NBUF
  idx_per_w = rows_per_w * text
  assert chunk % 8 == 0

  mesh = plsc.VectorSubcoreMesh(core_axis_name="c", subcore_axis_name="s")

  @functools.partial(
      pl.kernel,
      mesh=mesh,
      out_type=jax.ShapeDtypeStruct((batch, text, dim), jnp.float32),
      scratch_types=[
          pltpu.VMEM((idx_per_w,), jnp.int32),
          [pltpu.VMEM((chunk, dim), jnp.float32) for _ in range(NBUF)],
          [pltpu.SemaphoreType.DMA for _ in range(NBUF)],
      ],
  )
  def lookup_kernel(table_hbm, idx_hbm, out_hbm, idx_v, bufs, sems):
    wid = lax.axis_index("s") * NUM_CORES + lax.axis_index("c")
    row_base = wid * rows_per_w
    pltpu.sync_copy(idx_hbm.at[pl.ds(row_base * text, idx_per_w)], idx_v)

    def gather_start(c, j):
      pltpu.async_copy(
          table_hbm.at[idx_v.at[pl.ds(c * chunk, chunk)]], bufs[j], sems[j]
      )

    def gather_wait(c, j):
      pltpu.make_async_copy(
          table_hbm.at[idx_v.at[pl.ds(c * chunk, chunk)]], bufs[j], sems[j]
      ).wait()

    def store(c, j):
      row0 = row_base + c * rows_per_chunk
      for r in range(rows_per_chunk):
        pltpu.sync_copy(
            bufs[j].at[pl.ds(r * text, text)], out_hbm.at[row0 + r]
        )

    for j in range(NBUF - 1):
      gather_start(j, j)

    def body(g, carry):
      c0 = g * NBUF
      for j in range(NBUF):
        c = c0 + j
        nxt = c + NBUF - 1
        jn = (j + NBUF - 1) % NBUF
        @pl.when(nxt < n_chunks)
        def _(nxt=nxt, jn=jn):
          gather_start(nxt, jn)
        gather_wait(c, j)
        store(c, j)
      return carry

    lax.fori_loop(0, n_groups, body, 0)

  return lookup_kernel


_lookup = _make_lookup(4096, 50, 128, 4)


def kernel(input, table):
  idx = input.reshape(-1).astype(jnp.int32)
  return _lookup(table, idx)

# --- scband reference (transcript-rebuilt; emitter-appended) ---
"""Pipeline reference for scband-embedding-59193239273696 (READ-ONLY COPY).

The authoritative reference and input builder live on the scoring server;
editing this copy changes nothing except your own understanding.
"""

import jax, jax.numpy as jnp
import numpy as np

VOCAB = 100000
DIM = 128
PAD_IDX = 0  # char2id['_'] assumed 0


def setup_inputs(seed: int = 0) -> dict:
    key = jax.random.key(seed)
    k1, k2 = jax.random.split(key)
    table = jax.random.normal(k1, (VOCAB, DIM), dtype=jnp.float32)
    # padding_idx row is zero, matching nn.Embedding(padding_idx=...)
    table = table.at[PAD_IDX].set(0.0)
    inp = jax.random.randint(k2, (4096, 50), 0, VOCAB, dtype=jnp.int64)
    return {"input": inp, "table": table}


def reference(input, table):
    # nn.Embedding forward: gather rows of the table
    embed = jnp.take(table, input, axis=0)  # (batch, text, dim)
    return embed

if __name__ == "__main__":
    import jax
    _d = setup_inputs()
    print(jax.jit(kernel)(*tuple(_d.values())))

</pallas_src>

<mosaic_0001>
#map = affine_map<(d0, d1) -> (0, 0)>
#map1 = affine_map<(d0, d1) -> (0)>
#map2 = affine_map<(d0, d1) -> (0, 0, 0)>
module attributes {stable_mosaic.version = 14 : i64} {
  func.func @lookup_kernel(%arg0: i32, %arg1: i32, %arg2: memref<100000x128xf32, #tpu.memory_space<hbm>>, %arg3: memref<204800xi32, #tpu.memory_space<hbm>>, %arg4: memref<4096x50x128xf32, #tpu.memory_space<hbm>>, %arg5: memref<6400xi32, #tpu.memory_space<vmem>>, %arg6: memref<200x128xf32, #tpu.memory_space<vmem>>, %arg7: memref<200x128xf32, #tpu.memory_space<vmem>>, %arg8: memref<200x128xf32, #tpu.memory_space<vmem>>, %arg9: memref<200x128xf32, #tpu.memory_space<vmem>>, %arg10: memref<!tpu.dma_semaphore, #tpu.memory_space<semaphore_mem>>, %arg11: memref<!tpu.dma_semaphore, #tpu.memory_space<semaphore_mem>>, %arg12: memref<!tpu.dma_semaphore, #tpu.memory_space<semaphore_mem>>, %arg13: memref<!tpu.dma_semaphore, #tpu.memory_space<semaphore_mem>>) attributes {dimension_semantics = [#tpu.dimension_semantics<core_parallel>, #tpu.dimension_semantics<subcore_parallel>], iteration_bounds = array<i64: 2, 16>, scalar_prefetch = 0 : i64, scratch_operands = 9 : i64, tpu.core_type = #tpu.core_type<sc_vector_subcore>, window_params = [{transform_indices = #map}, {transform_indices = #map1}, {transform_indices = #map2}]} {
    %mul3A = arith.constant 2 : i32
    %mul3A_0 = arith.muli %arg1, %mul3A : i32
    %add3A = arith.addi %mul3A_0, %arg0 : i32
    %mul3A_1 = arith.constant 128 : i32
    %mul3A_2 = arith.muli %add3A, %mul3A_1 : i32
    %mul3A_3 = arith.constant 50 : i32
    %mul3A_4 = arith.muli %mul3A_2, %mul3A_3 : i32
    "tpu.region"() ({
      %run_scoped3A = tpu.sem_alloc : memref<!tpu.dma_semaphore, #tpu.memory_space<semaphore_mem>>
      %dma_start3A_24 = tpu.memref_slice %arg3[%mul3A_4] : memref<204800xi32, #tpu.memory_space<hbm>> -> memref<6400xi32, #tpu.memory_space<hbm>>
      %dma_start3A_25 = tpu.memref_slice %arg3[%mul3A_4] : memref<204800xi32, #tpu.memory_space<hbm>> -> memref<6400xi32, #tpu.memory_space<hbm>>
      tpu.enqueue_dma source(%dma_start3A_25 : memref<6400xi32, #tpu.memory_space<hbm>>) target(%arg5 : memref<6400xi32, #tpu.memory_space<vmem>>) target_semaphore(%run_scoped3A : memref<!tpu.dma_semaphore, #tpu.memory_space<semaphore_mem>>)
      %dma_wait3A = tpu.memref_slice %arg3[%mul3A_4] : memref<204800xi32, #tpu.memory_space<hbm>> -> memref<6400xi32, #tpu.memory_space<hbm>>
      %dma_wait3A_26 = tpu.memref_slice %arg3[%mul3A_4] : memref<204800xi32, #tpu.memory_space<hbm>> -> memref<6400xi32, #tpu.memory_space<hbm>>
      tpu.wait_dma2 semaphore(%run_scoped3A : memref<!tpu.dma_semaphore, #tpu.memory_space<semaphore_mem>>) src(%dma_wait3A_26 : memref<6400xi32, #tpu.memory_space<hbm>>) dst(%arg5 : memref<6400xi32, #tpu.memory_space<vmem>>)
      tpu.yield
    }) : () -> ()
    %dma_start3A = arith.constant 0 : i32
    %dma_start3A_5 = tpu.memref_slice %arg5[%dma_start3A] : memref<6400xi32, #tpu.memory_space<vmem>> -> memref<200xi32, #tpu.memory_space<vmem>>
    %dma_start3A_6 = arith.constant 0 : i32
    %dma_start3A_7 = arith.constant 0 : i32
    %dma_start3A_8 = tpu.memref_slice %arg2[%dma_start3A_6, %dma_start3A_7] : memref<100000x128xf32, #tpu.memory_space<hbm>> -> memref<100000x128xf32, #tpu.memory_space<hbm>>
    tpu.enqueue_indirect_dma source(%dma_start3A_8 : memref<100000x128xf32, #tpu.memory_space<hbm>>) target(%arg6 : memref<200x128xf32, #tpu.memory_space<vmem>>) offsets(%dma_start3A_5 : memref<200xi32, #tpu.memory_space<vmem>>) semaphore(%arg10 : memref<!tpu.dma_semaphore, #tpu.memory_space<semaphore_mem>>)
    %dma_start3A_9 = arith.constant 200 : i32
    %dma_start3A_10 = tpu.memref_slice %arg5[%dma_start3A_9] : memref<6400xi32, #tpu.memory_space<vmem>> -> memref<200xi32, #tpu.memory_space<vmem>>
    %dma_start3A_11 = arith.constant 0 : i32
    %dma_start3A_12 = arith.constant 0 : i32
    %dma_start3A_13 = tpu.memref_slice %arg2[%dma_start3A_11, %dma_start3A_12] : memref<100000x128xf32, #tpu.memory_space<hbm>> -> memref<100000x128xf32, #tpu.memory_space<hbm>>
    tpu.enqueue_indirect_dma source(%dma_start3A_13 : memref<100000x128xf32, #tpu.memory_space<hbm>>) target(%arg7 : memref<200x128xf32, #tpu.memory_space<vmem>>) offsets(%dma_start3A_10 : memref<200xi32, #tpu.memory_space<vmem>>) semaphore(%arg11 : memref<!tpu.dma_semaphore, #tpu.memory_space<semaphore_mem>>)
    %dma_start3A_14 = arith.constant 400 : i32
    %dma_start3A_15 = tpu.memref_slice %arg5[%dma_start3A_14] : memref<6400xi32, #tpu.memory_space<vmem>> -> memref<200xi32, #tpu.memory_space<vmem>>
    %dma_start3A_16 = arith.constant 0 : i32
    %dma_start3A_17 = arith.constant 0 : i32
    %dma_start3A_18 = tpu.memref_slice %arg2[%dma_start3A_16, %dma_start3A_17] : memref<100000x128xf32, #tpu.memory_space<hbm>> -> memref<100000x128xf32, #tpu.memory_space<hbm>>
    tpu.enqueue_indirect_dma source(%dma_start3A_18 : memref<100000x128xf32, #tpu.memory_space<hbm>>) target(%arg8 : memref<200x128xf32, #tpu.memory_space<vmem>>) offsets(%dma_start3A_15 : memref<200xi32, #tpu.memory_space<vmem>>) semaphore(%arg12 : memref<!tpu.dma_semaphore, #tpu.memory_space<semaphore_mem>>)
    %scan3A = arith.constant 0 : i32
    %scan3A_19 = arith.constant 0 : i32
    %scan3A_20 = arith.constant 8 : i32
    %scan3A_21 = arith.addi %scan3A_19, %scan3A_20 : i32
    %scan3A_22 = arith.constant 1 : i32
    scf.for %scan3A_24 = %scan3A_19 to %scan3A_21 step %scan3A_22  : i32 {
      %mul3A_25 = arith.constant 4 : i32
      %mul3A_26 = arith.muli %scan3A_24, %mul3A_25 : i32
      %add3A_27 = arith.constant 0 : i32
      %add3A_28 = arith.addi %mul3A_26, %add3A_27 : i32
      %add3A_29 = arith.constant 4 : i32
      %add3A_30 = arith.addi %add3A_28, %add3A_29 : i32
      %sub3A = arith.constant 1 : i32
      %sub3A_31 = arith.subi %add3A_30, %sub3A : i32
      %lt3A = arith.constant 32 : i32
      %lt3A_32 = arith.cmpi slt, %sub3A_31, %lt3A : i32
      %convert_element_type3A = arith.extui %lt3A_32 : i1 to i32
      %cond3A = arith.constant 0 : i32
      %cond3A_33 = arith.cmpi ne, %convert_element_type3A, %cond3A : i32
      scf.if %cond3A_33 {
        %mul3A_134 = arith.constant 200 : i32
        %mul3A_135 = arith.muli %sub3A_31, %mul3A_134 : i32
        %dma_start3A_136 = tpu.memref_slice %arg5[%mul3A_135] : memref<6400xi32, #tpu.memory_space<vmem>> -> memref<200xi32, #tpu.memory_space<vmem>>
        %dma_start3A_137 = arith.constant 0 : i32
        %dma_start3A_138 = arith.constant 0 : i32
        %dma_start3A_139 = tpu.memref_slice %arg2[%dma_start3A_137, %dma_start3A_138] : memref<100000x128xf32, #tpu.memory_space<hbm>> -> memref<100000x128xf32, #tpu.memory_space<hbm>>
        tpu.enqueue_indirect_dma source(%dma_start3A_139 : memref<100000x128xf32, #tpu.memory_space<hbm>>) target(%arg9 : memref<200x128xf32, #tpu.memory_space<vmem>>) offsets(%dma_start3A_136 : memref<200xi32, #tpu.memory_space<vmem>>) semaphore(%arg13 : memref<!tpu.dma_semaphore, #tpu.memory_space<semaphore_mem>>)
      } else {
      }
      %mul3A_34 = arith.constant 200 : i32
      %mul3A_35 = arith.muli %add3A_28, %mul3A_34 : i32
      %dma_wait3A = tpu.memref_slice %arg5[%mul3A_35] : memref<6400xi32, #tpu.memory_space<vmem>> -> memref<200xi32, #tpu.memory_space<vmem>>
      %dma_wait3A_36 = arith.constant 0 : i32
      %dma_wait3A_37 = arith.constant 0 : i32
      %dma_wait3A_38 = tpu.memref_slice %arg2[%dma_wait3A_36, %dma_wait3A_37] : memref<100000x128xf32, #tpu.memory_space<hbm>> -> memref<100000x128xf32, #tpu.memory_space<hbm>>
      tpu.wait_indirect_dma semaphore(%arg10 : memref<!tpu.dma_semaphore, #tpu.memory_space<semaphore_mem>>) src(%dma_wait3A_38 : memref<100000x128xf32, #tpu.memory_space<hbm>>) dst(%arg6 : memref<200x128xf32, #tpu.memory_space<vmem>>)
      %mul3A_39 = arith.constant 4 : i32
      %mul3A_40 = arith.muli %add3A_28, %mul3A_39 : i32
      %add3A_41 = arith.addi %mul3A_2, %mul3A_40 : i32
      %add3A_42 = arith.constant 0 : i32
      %add3A_43 = arith.addi %add3A_41, %add3A_42 : i32
      "tpu.region"() ({
        %run_scoped3A = tpu.sem_alloc : memref<!tpu.dma_semaphore, #tpu.memory_space<semaphore_mem>>
        %dma_start3A_134 = arith.constant 0 : i32
        %dma_start3A_135 = arith.constant 0 : i32
        %dma_start3A_136 = tpu.memref_slice %arg6[%dma_start3A_134, %dma_start3A_135] : memref<200x128xf32, #tpu.memory_space<vmem>> -> memref<50x128xf32, #tpu.memory_space<vmem>>
        %dma_start3A_137 = arith.constant 0 : i32
        %dma_start3A_138 = arith.constant 0 : i32
        %dma_start3A_139 = tpu.memref_slice %arg4[%add3A_43, %dma_start3A_137, %dma_start3A_138] : memref<4096x50x128xf32, #tpu.memory_space<hbm>> -> memref<1x50x128xf32, #tpu.memory_space<hbm>>
        %dma_start3A_140 = tpu.memref_squeeze %dma_start3A_139 : memref<1x50x128xf32, #tpu.memory_space<hbm>> -> memref<50x128xf32, #tpu.memory_space<hbm>>
        %dma_start3A_141 = arith.constant 0 : i32
        %dma_start3A_142 = arith.constant 0 : i32
        %dma_start3A_143 = tpu.memref_slice %arg4[%add3A_43, %dma_start3A_141, %dma_start3A_142] : memref<4096x50x128xf32, #tpu.memory_space<hbm>> -> memref<1x50x128xf32, #tpu.memory_space<hbm>>
        %dma_start3A_144 = tpu.memref_squeeze %dma_start3A_143 : memref<1x50x128xf32, #tpu.memory_space<hbm>> -> memref<50x128xf32, #tpu.memory_space<hbm>>
        %dma_start3A_145 = arith.constant 0 : i32
        %dma_start3A_146 = arith.constant 0 : i32
        %dma_start3A_147 = tpu.memref_slice %arg6[%dma_start3A_145, %dma_start3A_146] : memref<200x128xf32, #tpu.memory_space<vmem>> -> memref<50x128xf32, #tpu.memory_space<vmem>>
        tpu.enqueue_dma source(%dma_start3A_147 : memref<50x128xf32, #tpu.memory_space<vmem>>) target(%dma_start3A_144 : memref<50x128xf32, #tpu.memory_space<hbm>>) target_semaphore(%run_scoped3A : memref<!tpu.dma_semaphore, #tpu.memory_space<semaphore_mem>>)
        %dma_wait3A_148 = arith.constant 0 : i32
        %dma_wait3A_149 = arith.constant 0 : i32
        %dma_wait3A_150 = tpu.memref_slice %arg6[%dma_wait3A_148, %dma_wait3A_149] : memref<200x128xf32, #tpu.memory_space<vmem>> -> memref<50x128xf32, #tpu.memory_space<vmem>>
        %dma_wait3A_151 = arith.constant 0 : i32
        %dma_wait3A_152 = arith.constant 0 : i32
        %dma_wait3A_153 = tpu.memref_slice %arg4[%add3A_43, %dma_wait3A_151, %dma_wait3A_152] : memref<4096x50x128xf32, #tpu.memory_space<hbm>> -> memref<1x50x128xf32, #tpu.memory_space<hbm>>
        %dma_wait3A_154 = tpu.memref_squeeze %dma_wait3A_153 : memref<1x50x128xf32, #tpu.memory_space<hbm>> -> memref<50x128xf32, #tpu.memory_space<hbm>>
        %dma_wait3A_155 = arith.constant 0 : i32
        %dma_wait3A_156 = arith.constant 0 : i32
        %dma_wait3A_157 = tpu.memref_slice %arg4[%add3A_43, %dma_wait3A_155, %dma_wait3A_156] : memref<4096x50x128xf32, #tpu.memory_space<hbm>> -> memref<1x50x128xf32, #tpu.memory_space<hbm>>
        %dma_wait3A_158 = tpu.memref_squeeze %dma_wait3A_157 : memref<1x50x128xf32, #tpu.memory_space<hbm>> -> memref<50x128xf32, #tpu.memory_space<hbm>>
        %dma_wait3A_159 = arith.constant 0 : i32
        %dma_wait3A_160 = arith.constant 0 : i32
        %dma_wait3A_161 = tpu.memref_slice %arg6[%dma_wait3A_159, %dma_wait3A_160] : memref<200x128xf32, #tpu.memory_space<vmem>> -> memref<50x128xf32, #tpu.memory_space<vmem>>
        tpu.wait_dma2 semaphore(%run_scoped3A : memref<!tpu.dma_semaphore, #tpu.memory_space<semaphore_mem>>) src(%dma_wait3A_161 : memref<50x128xf32, #tpu.memory_space<vmem>>) dst(%dma_wait3A_158 : memref<50x128xf32, #tpu.memory_space<hbm>>)
        tpu.yield
      }) : () -> ()
      %add3A_44 = arith.constant 1 : i32
      %add3A_45 = arith.addi %add3A_41, %add3A_44 : i32
      "tpu.region"() ({
        %run_scoped3A = tpu.sem_alloc : memref<!tpu.dma_semaphore, #tpu.memory_space<semaphore_mem>>
        %dma_start3A_134 = arith.constant 50 : i32
        %dma_start3A_135 = arith.constant 0 : i32
        %dma_start3A_136 = tpu.memref_slice %arg6[%dma_start3A_134, %dma_start3A_135] : memref<200x128xf32, #tpu.memory_space<vmem>> -> memref<50x128xf32, #tpu.memory_space<vmem>>
        %dma_start3A_137 = arith.constant 0 : i32
        %dma_start3A_138 = arith.constant 0 : i32
        %dma_start3A_139 = tpu.memref_slice %arg4[%add3A_45, %dma_start3A_137, %dma_start3A_138] : memref<4096x50x128xf32, #tpu.memory_space<hbm>> -> memref<1x50x128xf32, #tpu.memory_space<hbm>>
        %dma_start3A_140 = tpu.memref_squeeze %dma_start3A_139 : memref<1x50x128xf32, #tpu.memory_space<hbm>> -> memref<50x128xf32, #tpu.memory_space<hbm>>
        %dma_start3A_141 = arith.constant 0 : i32
        %dma_start3A_142 = arith.constant 0 : i32
        %dma_start3A_143 = tpu.memref_slice %arg4[%add3A_45, %dma_start3A_141, %dma_start3A_142] : memref<4096x50x128xf32, #tpu.memory_space<hbm>> -> memref<1x50x128xf32, #tpu.memory_space<hbm>>
        %dma_start3A_144 = tpu.memref_squeeze %dma_start3A_143 : memref<1x50x128xf32, #tpu.memory_space<hbm>> -> memref<50x128xf32, #tpu.memory_space<hbm>>
        %dma_start3A_145 = arith.constant 50 : i32
        %dma_start3A_146 = arith.constant 0 : i32
        %dma_start3A_147 = tpu.memref_slice %arg6[%dma_start3A_145, %dma_start3A_146] : memref<200x128xf32, #tpu.memory_space<vmem>> -> memref<50x128xf32, #tpu.memory_space<vmem>>
        tpu.enqueue_dma source(%dma_start3A_147 : memref<50x128xf32, #tpu.memory_space<vmem>>) target(%dma_start3A_144 : memref<50x128xf32, #tpu.memory_space<hbm>>) target_semaphore(%run_scoped3A : memref<!tpu.dma_semaphore, #tpu.memory_space<semaphore_mem>>)
        %dma_wait3A_148 = arith.constant 50 : i32
        %dma_wait3A_149 = arith.constant 0 : i32
        %dma_wait3A_150 = tpu.memref_slice %arg6[%dma_wait3A_148, %dma_wait3A_149] : memref<200x128xf32, #tpu.memory_space<vmem>> -> memref<50x128xf32, #tpu.memory_space<vmem>>
        %dma_wait3A_151 = arith.constant 0 : i32
        %dma_wait3A_152 = arith.constant 0 : i32
        %dma_wait3A_153 = tpu.memref_slice %arg4[%add3A_45, %dma_wait3A_151, %dma_wait3A_152] : memref<4096x50x128xf32, #tpu.memory_space<hbm>> -> memref<1x50x128xf32, #tpu.memory_space<hbm>>
        %dma_wait3A_154 = tpu.memref_squeeze %dma_wait3A_153 : memref<1x50x128xf32, #tpu.memory_space<hbm>> -> memref<50x128xf32, #tpu.memory_space<hbm>>
        %dma_wait3A_155 = arith.constant 0 : i32
        %dma_wait3A_156 = arith.constant 0 : i32
        %dma_wait3A_157 = tpu.memref_slice %arg4[%add3A_45, %dma_wait3A_155, %dma_wait3A_156] : memref<4096x50x128xf32, #tpu.memory_space<hbm>> -> memref<1x50x128xf32, #tpu.memory_space<hbm>>
        %dma_wait3A_158 = tpu.memref_squeeze %dma_wait3A_157 : memref<1x50x128xf32, #tpu.memory_space<hbm>> -> memref<50x128xf32, #tpu.memory_space<hbm>>
        %dma_wait3A_159 = arith.constant 50 : i32
        %dma_wait3A_160 = arith.constant 0 : i32
        %dma_wait3A_161 = tpu.memref_slice %arg6[%dma_wait3A_159, %dma_wait3A_160] : memref<200x128xf32, #tpu.memory_space<vmem>> -> memref<50x128xf32, #tpu.memory_space<vmem>>
        tpu.wait_dma2 semaphore(%run_scoped3A : memref<!tpu.dma_semaphore, #tpu.memory_space<semaphore_mem>>) src(%dma_wait3A_161 : memref<50x128xf32, #tpu.memory_space<vmem>>) dst(%dma_wait3A_158 : memref<50x128xf32, #tpu.memory_space<hbm>>)
        tpu.yield
      }) : () -> ()
      %add3A_46 = arith.constant 2 : i32
      %add3A_47 = arith.addi %add3A_41, %add3A_46 : i32
      "tpu.region"() ({
        %run_scoped3A = tpu.sem_alloc : memref<!tpu.dma_semaphore, #tpu.memory_space<semaphore_mem>>
        %dma_start3A_134 = arith.constant 100 : i32
        %dma_start3A_135 = arith.constant 0 : i32
        %dma_start3A_136 = tpu.memref_slice %arg6[%dma_start3A_134, %dma_start3A_135] : memref<200x128xf32, #tpu.memory_space<vmem>> -> memref<50x128xf32, #tpu.memory_space<vmem>>
        %dma_start3A_137 = arith.constant 0 : i32
        %dma_start3A_138 = arith.constant 0 : i32
        %dma_start3A_139 = tpu.memref_slice %arg4[%add3A_47, %dma_start3A_137, %dma_start3A_138] : memref<4096x50x128xf32, #tpu.memory_space<hbm>> -> memref<1x50x128xf32, #tpu.memory_space<hbm>>
        %dma_start3A_140 = tpu.memref_squeeze %dma_start3A_139 : memref<1x50x128xf32, #tpu.memory_space<hbm>> -> memref<50x128xf32, #tpu.memory_space<hbm>>
        %dma_start3A_141 = arith.constant 0 : i32
        %dma_start3A_142 = arith.constant 0 : i32
        %dma_start3A_143 = tpu.memref_slice %arg4[%add3A_47, %dma_start3A_141, %dma_start3A_142] : memref<4096x50x128xf32, #tpu.memory_space<hbm>> -> memref<1x50x128xf32, #tpu.memory_space<hbm>>
        %dma_start3A_144 = tpu.memref_squeeze %dma_start3A_143 : memref<1x50x128xf32, #tpu.memory_space<hbm>> -> memref<50x128xf32, #tpu.memory_space<hbm>>
        %dma_start3A_145 = arith.constant 100 : i32
        %dma_start3A_146 = arith.constant 0 : i32
        %dma_start3A_147 = tpu.memref_slice %arg6[%dma_start3A_145, %dma_start3A_146] : memref<200x128xf32, #tpu.memory_space<vmem>> -> memref<50x128xf32, #tpu.memory_space<vmem>>
        tpu.enqueue_dma source(%dma_start3A_147 : memref<50x128xf32, #tpu.memory_space<vmem>>) target(%dma_start3A_144 : memref<50x128xf32, #tpu.memory_space<hbm>>) target_semaphore(%run_scoped3A : memref<!tpu.dma_semaphore, #tpu.memory_space<semaphore_mem>>)
        %dma_wait3A_148 = arith.constant 100 : i32
        %dma_wait3A_149 = arith.constant 0 : i32
        %dma_wait3A_150 = tpu.memref_slice %arg6[%dma_wait3A_148, %dma_wait3A_149] : memref<200x128xf32, #tpu.memory_space<vmem>> -> memref<50x128xf32, #tpu.memory_space<vmem>>
        %dma_wait3A_151 = arith.constant 0 : i32
        %dma_wait3A_152 = arith.constant 0 : i32
        %dma_wait3A_153 = tpu.memref_slice %arg4[%add3A_47, %dma_wait3A_151, %dma_wait3A_152] : memref<4096x50x128xf32, #tpu.memory_space<hbm>> -> memref<1x50x128xf32, #tpu.memory_space<hbm>>
        %dma_wait3A_154 = tpu.memref_squeeze %dma_wait3A_153 : memref<1x50x128xf32, #tpu.memory_space<hbm>> -> memref<50x128xf32, #tpu.memory_space<hbm>>
        %dma_wait3A_155 = arith.constant 0 : i32
        %dma_wait3A_156 = arith.constant 0 : i32
        %dma_wait3A_157 = tpu.memref_slice %arg4[%add3A_47, %dma_wait3A_155, %dma_wait3A_156] : memref<4096x50x128xf32, #tpu.memory_space<hbm>> -> memref<1x50x128xf32, #tpu.memory_space<hbm>>
        %dma_wait3A_158 = tpu.memref_squeeze %dma_wait3A_157 : memref<1x50x128xf32, #tpu.memory_space<hbm>> -> memref<50x128xf32, #tpu.memory_space<hbm>>
        %dma_wait3A_159 = arith.constant 100 : i32
        %dma_wait3A_160 = arith.constant 0 : i32
        %dma_wait3A_161 = tpu.memref_slice %arg6[%dma_wait3A_159, %dma_wait3A_160] : memref<200x128xf32, #tpu.memory_space<vmem>> -> memref<50x128xf32, #tpu.memory_space<vmem>>
        tpu.wait_dma2 semaphore(%run_scoped3A : memref<!tpu.dma_semaphore, #tpu.memory_space<semaphore_mem>>) src(%dma_wait3A_161 : memref<50x128xf32, #tpu.memory_space<vmem>>) dst(%dma_wait3A_158 : memref<50x128xf32, #tpu.memory_space<hbm>>)
        tpu.yield
      }) : () -> ()
      %add3A_48 = arith.constant 3 : i32
      %add3A_49 = arith.addi %add3A_41, %add3A_48 : i32
      "tpu.region"() ({
        %run_scoped3A = tpu.sem_alloc : memref<!tpu.dma_semaphore, #tpu.memory_space<semaphore_mem>>
        %dma_start3A_134 = arith.constant 150 : i32
        %dma_start3A_135 = arith.constant 0 : i32
        %dma_start3A_136 = tpu.memref_slice %arg6[%dma_start3A_134, %dma_start3A_135] : memref<200x128xf32, #tpu.memory_space<vmem>> -> memref<50x128xf32, #tpu.memory_space<vmem>>
        %dma_start3A_137 = arith.constant 0 : i32
        %dma_start3A_138 = arith.constant 0 : i32
        %dma_start3A_139 = tpu.memref_slice %arg4[%add3A_49, %dma_start3A_137, %dma_start3A_138] : memref<4096x50x128xf32, #tpu.memory_space<hbm>> -> memref<1x50x128xf32, #tpu.memory_space<hbm>>
        %dma_start3A_140 = tpu.memref_squeeze %dma_start3A_139 : memref<1x50x128xf32, #tpu.memory_space<hbm>> -> memref<50x128xf32, #tpu.memory_space<hbm>>
        %dma_start3A_141 = arith.constant 0 : i32
        %dma_start3A_142 = arith.constant 0 : i32
        %dma_start3A_143 = tpu.memref_slice %arg4[%add3A_49, %dma_start3A_141, %dma_start3A_142] : memref<4096x50x128xf32, #tpu.memory_space<hbm>> -> memref<1x50x128xf32, #tpu.memory_space<hbm>>
        %dma_start3A_144 = tpu.memref_squeeze %dma_start3A_143 : memref<1x50x128xf32, #tpu.memory_space<hbm>> -> memref<50x128xf32, #tpu.memory_space<hbm>>
        %dma_start3A_145 = arith.constant 150 : i32
        %dma_start3A_146 = arith.constant 0 : i32
        %dma_start3A_147 = tpu.memref_slice %arg6[%dma_start3A_145, %dma_start3A_146] : memref<200x128xf32, #tpu.memory_space<vmem>> -> memref<50x128xf32, #tpu.memory_space<vmem>>
        tpu.enqueue_dma source(%dma_start3A_147 : memref<50x128xf32, #tpu.memory_space<vmem>>) target(%dma_start3A_144 : memref<50x128xf32, #tpu.memory_space<hbm>>) target_semaphore(%run_scoped3A : memref<!tpu.dma_semaphore, #tpu.memory_space<semaphore_mem>>)
        %dma_wait3A_148 = arith.constant 150 : i32
        %dma_wait3A_149 = arith.constant 0 : i32
        %dma_wait3A_150 = tpu.memref_slice %arg6[%dma_wait3A_148, %dma_wait3A_149] : memref<200x128xf32, #tpu.memory_space<vmem>> -> memref<50x128xf32, #tpu.memory_space<vmem>>
        %dma_wait3A_151 = arith.constant 0 : i32
        %dma_wait3A_152 = arith.constant 0 : i32
        %dma_wait3A_153 = tpu.memref_slice %arg4[%add3A_49, %dma_wait3A_151, %dma_wait3A_152] : memref<4096x50x128xf32, #tpu.memory_space<hbm>> -> memref<1x50x128xf32, #tpu.memory_space<hbm>>
        %dma_wait3A_154 = tpu.memref_squeeze %dma_wait3A_153 : memref<1x50x128xf32, #tpu.memory_space<hbm>> -> memref<50x128xf32, #tpu.memory_space<hbm>>
        %dma_wait3A_155 = arith.constant 0 : i32
        %dma_wait3A_156 = arith.constant 0 : i32
        %dma_wait3A_157 = tpu.memref_slice %arg4[%add3A_49, %dma_wait3A_155, %dma_wait3A_156] : memref<4096x50x128xf32, #tpu.memory_space<hbm>> -> memref<1x50x128xf32, #tpu.memory_space<hbm>>
        %dma_wait3A_158 = tpu.memref_squeeze %dma_wait3A_157 : memref<1x50x128xf32, #tpu.memory_space<hbm>> -> memref<50x128xf32, #tpu.memory_space<hbm>>
        %dma_wait3A_159 = arith.constant 150 : i32
        %dma_wait3A_160 = arith.constant 0 : i32
        %dma_wait3A_161 = tpu.memref_slice %arg6[%dma_wait3A_159, %dma_wait3A_160] : memref<200x128xf32, #tpu.memory_space<vmem>> -> memref<50x128xf32, #tpu.memory_space<vmem>>
        tpu.wait_dma2 semaphore(%run_scoped3A : memref<!tpu.dma_semaphore, #tpu.memory_space<semaphore_mem>>) src(%dma_wait3A_161 : memref<50x128xf32, #tpu.memory_space<vmem>>) dst(%dma_wait3A_158 : memref<50x128xf32, #tpu.memory_space<hbm>>)
        tpu.yield
      }) : () -> ()
      %add3A_50 = arith.constant 1 : i32
      %add3A_51 = arith.addi %mul3A_26, %add3A_50 : i32
      %add3A_52 = arith.constant 4 : i32
      %add3A_53 = arith.addi %add3A_51, %add3A_52 : i32
      %sub3A_54 = arith.constant 1 : i32
      %sub3A_55 = arith.subi %add3A_53, %sub3A_54 : i32
      %lt3A_56 = arith.constant 32 : i32
      %lt3A_57 = arith.cmpi slt, %sub3A_55, %lt3A_56 : i32
      %convert_element_type3A_58 = arith.extui %lt3A_57 : i1 to i32
      %cond3A_59 = arith.constant 0 : i32
      %cond3A_60 = arith.cmpi ne, %convert_element_type3A_58, %cond3A_59 : i32
      scf.if %cond3A_60 {
        %mul3A_134 = arith.constant 200 : i32
        %mul3A_135 = arith.muli %sub3A_55, %mul3A_134 : i32
        %dma_start3A_136 = tpu.memref_slice %arg5[%mul3A_135] : memref<6400xi32, #tpu.memory_space<vmem>> -> memref<200xi32, #tpu.memory_space<vmem>>
        %dma_start3A_137 = arith.constant 0 : i32
        %dma_start3A_138 = arith.constant 0 : i32
        %dma_start3A_139 = tpu.memref_slice %arg2[%dma_start3A_137, %dma_start3A_138] : memref<100000x128xf32, #tpu.memory_space<hbm>> -> memref<100000x128xf32, #tpu.memory_space<hbm>>
        tpu.enqueue_indirect_dma source(%dma_start3A_139 : memref<100000x128xf32, #tpu.memory_space<hbm>>) target(%arg6 : memref<200x128xf32, #tpu.memory_space<vmem>>) offsets(%dma_start3A_136 : memref<200xi32, #tpu.memory_space<vmem>>) semaphore(%arg10 : memref<!tpu.dma_semaphore, #tpu.memory_space<semaphore_mem>>)
      } else {
      }
      %mul3A_61 = arith.constant 200 : i32
      %mul3A_62 = arith.muli %add3A_51, %mul3A_61 : i32
      %dma_wait3A_63 = tpu.memref_slice %arg5[%mul3A_62] : memref<6400xi32, #tpu.memory_space<vmem>> -> memref<200xi32, #tpu.memory_space<vmem>>
      %dma_wait3A_64 = arith.constant 0 : i32
      %dma_wait3A_65 = arith.constant 0 : i32
      %dma_wait3A_66 = tpu.memref_slice %arg2[%dma_wait3A_64, %dma_wait3A_65] : memref<100000x128xf32, #tpu.memory_space<hbm>> -> memref<100000x128xf32, #tpu.memory_space<hbm>>
      tpu.wait_indirect_dma semaphore(%arg11 : memref<!tpu.dma_semaphore, #tpu.memory_space<semaphore_mem>>) src(%dma_wait3A_66 : memref<100000x128xf32, #tpu.memory_space<hbm>>) dst(%arg7 : memref<200x128xf32, #tpu.memory_space<vmem>>)
      %mul3A_67 = arith.constant 4 : i32
      %mul3A_68 = arith.muli %add3A_51, %mul3A_67 : i32
      %add3A_69 = arith.addi %mul3A_2, %mul3A_68 : i32
      %add3A_70 = arith.constant 0 : i32
      %add3A_71 = arith.addi %add3A_69, %add3A_70 : i32
      "tpu.region"() ({
        %run_scoped3A = tpu.sem_alloc : memref<!tpu.dma_semaphore, #tpu.memory_space<semaphore_mem>>
        %dma_start3A_134 = arith.constant 0 : i32
        %dma_start3A_135 = arith.constant 0 : i32
        %dma_start3A_136 = tpu.memref_slice %arg7[%dma_start3A_134, %dma_start3A_135] : memref<200x128xf32, #tpu.memory_space<vmem>> -> memref<50x128xf32, #tpu.memory_space<vmem>>
        %dma_start3A_137 = arith.constant 0 : i32
        %dma_start3A_138 = arith.constant 0 : i32
        %dma_start3A_139 = tpu.memref_slice %arg4[%add3A_71, %dma_start3A_137, %dma_start3A_138] : memref<4096x50x128xf32, #tpu.memory_space<hbm>> -> memref<1x50x128xf32, #tpu.memory_space<hbm>>
        %dma_start3A_140 = tpu.memref_squeeze %dma_start3A_139 : memref<1x50x128xf32, #tpu.memory_space<hbm>> -> memref<50x128xf32, #tpu.memory_space<hbm>>
        %dma_start3A_141 = arith.constant 0 : i32
        %dma_start3A_142 = arith.constant 0 : i32
        %dma_start3A_143 = tpu.memref_slice %arg4[%add3A_71, %dma_start3A_141, %dma_start3A_142] : memref<4096x50x128xf32, #tpu.memory_space<hbm>> -> memref<1x50x128xf32, #tpu.memory_space<hbm>>
        %dma_start3A_144 = tpu.memref_squeeze %dma_start3A_143 : memref<1x50x128xf32, #tpu.memory_space<hbm>> -> memref<50x128xf32, #tpu.memory_space<hbm>>
        %dma_start3A_145 = arith.constant 0 : i32
        %dma_start3A_146 = arith.constant 0 : i32
        %dma_start3A_147 = tpu.memref_slice %arg7[%dma_start3A_145, %dma_start3A_146] : memref<200x128xf32, #tpu.memory_space<vmem>> -> memref<50x128xf32, #tpu.memory_space<vmem>>
        tpu.enqueue_dma source(%dma_start3A_147 : memref<50x128xf32, #tpu.memory_space<vmem>>) target(%dma_start3A_144 : memref<50x128xf32, #tpu.memory_space<hbm>>) target_semaphore(%run_scoped3A : memref<!tpu.dma_semaphore, #tpu.memory_space<semaphore_mem>>)
        %dma_wait3A_148 = arith.constant 0 : i32
        %dma_wait3A_149 = arith.constant 0 : i32
        %dma_wait3A_150 = tpu.memref_slice %arg7[%dma_wait3A_148, %dma_wait3A_149] : memref<200x128xf32, #tpu.memory_space<vmem>> -> memref<50x128xf32, #tpu.memory_space<vmem>>
        %dma_wait3A_151 = arith.constant 0 : i32
        %dma_wait3A_152 = arith.constant 0 : i32
        %dma_wait3A_153 = tpu.memref_slice %arg4[%add3A_71, %dma_wait3A_151, %dma_wait3A_152] : memref<4096x50x128xf32, #tpu.memory_space<hbm>> -> memref<1x50x128xf32, #tpu.memory_space<hbm>>
        %dma_wait3A_154 = tpu.memref_squeeze %dma_wait3A_153 : memref<1x50x128xf32, #tpu.memory_space<hbm>> -> memref<50x128xf32, #tpu.memory_space<hbm>>
        %dma_wait3A_155 = arith.constant 0 : i32
        %dma_wait3A_156 = arith.constant 0 : i32
        %dma_wait3A_157 = tpu.memref_slice %arg4[%add3A_71, %dma_wait3A_155, %dma_wait3A_156] : memref<4096x50x128xf32, #tpu.memory_space<hbm>> -> memref<1x50x128xf32, #tpu.memory_space<hbm>>
        %dma_wait3A_158 = tpu.memref_squeeze %dma_wait3A_157 : memref<1x50x128xf32, #tpu.memory_space<hbm>> -> memref<50x128xf32, #tpu.memory_space<hbm>>
        %dma_wait3A_159 = arith.constant 0 : i32
        %dma_wait3A_160 = arith.constant 0 : i32
        %dma_wait3A_161 = tpu.memref_slice %arg7[%dma_wait3A_159, %dma_wait3A_160] : memref<200x128xf32, #tpu.memory_space<vmem>> -> memref<50x128xf32, #tpu.memory_space<vmem>>
        tpu.wait_dma2 semaphore(%run_scoped3A : memref<!tpu.dma_semaphore, #tpu.memory_space<semaphore_mem>>) src(%dma_wait3A_161 : memref<50x128xf32, #tpu.memory_space<vmem>>) dst(%dma_wait3A_158 : memref<50x128xf32, #tpu.memory_space<hbm>>)
        tpu.yield
      }) : () -> ()
      %add3A_72 = arith.constant 1 : i32
      %add3A_73 = arith.addi %add3A_69, %add3A_72 : i32
      "tpu.region"() ({
        %run_scoped3A = tpu.sem_alloc : memref<!tpu.dma_semaphore, #tpu.memory_space<semaphore_mem>>
        %dma_start3A_134 = arith.constant 50 : i32
        %dma_start3A_135 = arith.constant 0 : i32
        %dma_start3A_136 = tpu.memref_slice %arg7[%dma_start3A_134, %dma_start3A_135] : memref<200x128xf32, #tpu.memory_space<vmem>> -> memref<50x128xf32, #tpu.memory_space<vmem>>
        %dma_start3A_137 = arith.constant 0 : i32
        %dma_start3A_138 = arith.constant 0 : i32
        %dma_start3A_139 = tpu.memref_slice %arg4[%add3A_73, %dma_start3A_137, %dma_start3A_138] : memref<4096x50x128xf32, #tpu.memory_space<hbm>> -> memref<1x50x128xf32, #tpu.memory_space<hbm>>
        %dma_start3A_140 = tpu.memref_squeeze %dma_start3A_139 : memref<1x50x128xf32, #tpu.memory_space<hbm>> -> memref<50x128xf32, #tpu.memory_space<hbm>>
        %dma_start3A_141 = arith.constant 0 : i32
        %dma_start3A_142 = arith.constant 0 : i32
        %dma_start3A_143 = tpu.memref_slice %arg4[%add3A_73, %dma_start3A_141, %dma_start3A_142] : memref<4096x50x128xf32, #tpu.memory_space<hbm>> -> memref<1x50x128xf32, #tpu.memory_space<hbm>>
        %dma_start3A_144 = tpu.memref_squeeze %dma_start3A_143 : memref<1x50x128xf32, #tpu.memory_space<hbm>> -> memref<50x128xf32, #tpu.memory_space<hbm>>
        %dma_start3A_145 = arith.constant 50 : i32
        %dma_start3A_146 = arith.constant 0 : i32
        %dma_start3A_147 = tpu.memref_slice %arg7[%dma_start3A_145, %dma_start3A_146] : memref<200x128xf32, #tpu.memory_space<vmem>> -> memref<50x128xf32, #tpu.memory_space<vmem>>
        tpu.enqueue_dma source(%dma_start3A_147 : memref<50x128xf32, #tpu.memory_space<vmem>>) target(%dma_start3A_144 : memref<50x128xf32, #tpu.memory_space<hbm>>) target_semaphore(%run_scoped3A : memref<!tpu.dma_semaphore, #tpu.memory_space<semaphore_mem>>)
        %dma_wait3A_148 = arith.constant 50 : i32
        %dma_wait3A_149 = arith.constant 0 : i32
        %dma_wait3A_150 = tpu.memref_slice %arg7[%dma_wait3A_148, %dma_wait3A_149] : memref<200x128xf32, #tpu.memory_space<vmem>> -> memref<50x128xf32, #tpu.memory_space<vmem>>
        %dma_wait3A_151 = arith.constant 0 : i32
        %dma_wait3A_152 = arith.constant 0 : i32
        %dma_wait3A_153 = tpu.memref_slice %arg4[%add3A_73, %dma_wait3A_151, %dma_wait3A_152] : memref<4096x50x128xf32, #tpu.memory_space<hbm>> -> memref<1x50x128xf32, #tpu.memory_space<hbm>>
        %dma_wait3A_154 = tpu.memref_squeeze %dma_wait3A_153 : memref<1x50x128xf32, #tpu.memory_space<hbm>> -> memref<50x128xf32, #tpu.memory_space<hbm>>
        %dma_wait3A_155 = arith.constant 0 : i32
        %dma_wait3A_156 = arith.constant 0 : i32
        %dma_wait3A_157 = tpu.memref_slice %arg4[%add3A_73, %dma_wait3A_155, %dma_wait3A_156] : memref<4096x50x128xf32, #tpu.memory_space<hbm>> -> memref<1x50x128xf32, #tpu.memory_space<hbm>>
        %dma_wait3A_158 = tpu.memref_squeeze %dma_wait3A_157 : memref<1x50x128xf32, #tpu.memory_space<hbm>> -> memref<50x128xf32, #tpu.memory_space<hbm>>
        %dma_wait3A_159 = arith.constant 50 : i32
        %dma_wait3A_160 = arith.constant 0 : i32
        %dma_wait3A_161 = tpu.memref_slice %arg7[%dma_wait3A_159, %dma_wait3A_160] : memref<200x128xf32, #tpu.memory_space<vmem>> -> memref<50x128xf32, #tpu.memory_space<vmem>>
        tpu.wait_dma2 semaphore(%run_scoped3A : memref<!tpu.dma_semaphore, #tpu.memory_space<semaphore_mem>>) src(%dma_wait3A_161 : memref<50x128xf32, #tpu.memory_space<vmem>>) dst(%dma_wait3A_158 : memref<50x128xf32, #tpu.memory_space<hbm>>)
        tpu.yield
      }) : () -> ()
      %add3A_74 = arith.constant 2 : i32
      %add3A_75 = arith.addi %add3A_69, %add3A_74 : i32
      "tpu.region"() ({
        %run_scoped3A = tpu.sem_alloc : memref<!tpu.dma_semaphore, #tpu.memory_space<semaphore_mem>>
        %dma_start3A_134 = arith.constant 100 : i32
        %dma_start3A_135 = arith.constant 0 : i32
        %dma_start3A_136 = tpu.memref_slice %arg7[%dma_start3A_134, %dma_start3A_135] : memref<200x128xf32, #tpu.memory_space<vmem>> -> memref<50x128xf32, #tpu.memory_space<vmem>>
        %dma_start3A_137 = arith.constant 0 : i32
        %dma_start3A_138 = arith.constant 0 : i32
        %dma_start3A_139 = tpu.memref_slice %arg4[%add3A_75, %dma_start3A_137, %dma_start3A_138] : memref<4096x50x128xf32, #tpu.memory_space<hbm>> -> memref<1x50x128xf32, #tpu.memory_space<hbm>>
        %dma_start3A_140 = tpu.memref_squeeze %dma_start3A_139 : memref<1x50x128xf32, #tpu.memory_space<hbm>> -> memref<50x128xf32, #tpu.memory_space<hbm>>
        %dma_start3A_141 = arith.constant 0 : i32
        %dma_start3A_142 = arith.constant 0 : i32
        %dma_start3A_143 = tpu.memref_slice %arg4[%add3A_75, %dma_start3A_141, %dma_start3A_142] : memref<4096x50x128xf32, #tpu.memory_space<hbm>> -> memref<1x50x128xf32, #tpu.memory_space<hbm>>
        %dma_start3A_144 = tpu.memref_squeeze %dma_start3A_143 : memref<1x50x128xf32, #tpu.memory_space<hbm>> -> memref<50x128xf32, #tpu.memory_space<hbm>>
        %dma_start3A_145 = arith.constant 100 : i32
        %dma_start3A_146 = arith.constant 0 : i32
        %dma_start3A_147 = tpu.memref_slice %arg7[%dma_start3A_145, %dma_start3A_146] : memref<200x128xf32, #tpu.memory_space<vmem>> -> memref<50x128xf32, #tpu.memory_space<vmem>>
        tpu.enqueue_dma source(%dma_start3A_147 : memref<50x128xf32, #tpu.memory_space<vmem>>) target(%dma_start3A_144 : memref<50x128xf32, #tpu.memory_space<hbm>>) target_semaphore(%run_scoped3A : memref<!tpu.dma_semaphore, #tpu.memory_space<semaphore_mem>>)
        %dma_wait3A_148 = arith.constant 100 : i32
        %dma_wait3A_149 = arith.constant 0 : i32
        %dma_wait3A_150 = tpu.memref_slice %arg7[%dma_wait3A_148, %dma_wait3A_149] : memref<200x128xf32, #tpu.memory_space<vmem>> -> memref<50x128xf32, #tpu.memory_space<vmem>>
        %dma_wait3A_151 = arith.constant 0 : i32
        %dma_wait3A_152 = arith.constant 0 : i32
        %dma_wait3A_153 = tpu.memref_slice %arg4[%add3A_75, %dma_wait3A_151, %dma_wait3A_152] : memref<4096x50x128xf32, #tpu.memory_space<hbm>> -> memref<1x50x128xf32, #tpu.memory_space<hbm>>
        %dma_wait3A_154 = tpu.memref_squeeze %dma_wait3A_153 : memref<1x50x128xf32, #tpu.memory_space<hbm>> -> memref<50x128xf32, #tpu.memory_space<hbm>>
        %dma_wait3A_155 = arith.constant 0 : i32
        %dma_wait3A_156 = arith.constant 0 : i32
        %dma_wait3A_157 = tpu.memref_slice %arg4[%add3A_75, %dma_wait3A_155, %dma_wait3A_156] : memref<4096x50x128xf32, #tpu.memory_space<hbm>> -> memref<1x50x128xf32, #tpu.memory_space<hbm>>
        %dma_wait3A_158 = tpu.memref_squeeze %dma_wait3A_157 : memref<1x50x128xf32, #tpu.memory_space<hbm>> -> memref<50x128xf32, #tpu.memory_space<hbm>>
        %dma_wait3A_159 = arith.constant 100 : i32
        %dma_wait3A_160 = arith.constant 0 : i32
        %dma_wait3A_161 = tpu.memref_slice %arg7[%dma_wait3A_159, %dma_wait3A_160] : memref<200x128xf32, #tpu.memory_space<vmem>> -> memref<50x128xf32, #tpu.memory_space<vmem>>
        tpu.wait_dma2 semaphore(%run_scoped3A : memref<!tpu.dma_semaphore, #tpu.memory_space<semaphore_mem>>) src(%dma_wait3A_161 : memref<50x128xf32, #tpu.memory_space<vmem>>) dst(%dma_wait3A_158 : memref<50x128xf32, #tpu.memory_space<hbm>>)
        tpu.yield
      }) : () -> ()
      %add3A_76 = arith.constant 3 : i32
      %add3A_77 = arith.addi %add3A_69, %add3A_76 : i32
      "tpu.region"() ({
        %run_scoped3A = tpu.sem_alloc : memref<!tpu.dma_semaphore, #tpu.memory_space<semaphore_mem>>
        %dma_start3A_134 = arith.constant 150 : i32
        %dma_start3A_135 = arith.constant 0 : i32
        %dma_start3A_136 = tpu.memref_slice %arg7[%dma_start3A_134, %dma_start3A_135] : memref<200x128xf32, #tpu.memory_space<vmem>> -> memref<50x128xf32, #tpu.memory_space<vmem>>
        %dma_start3A_137 = arith.constant 0 : i32
        %dma_start3A_138 = arith.constant 0 : i32
        %dma_start3A_139 = tpu.memref_slice %arg4[%add3A_77, %dma_start3A_137, %dma_start3A_138] : memref<4096x50x128xf32, #tpu.memory_space<hbm>> -> memref<1x50x128xf32, #tpu.memory_space<hbm>>
        %dma_start3A_140 = tpu.memref_squeeze %dma_start3A_139 : memref<1x50x128xf32, #tpu.memory_space<hbm>> -> memref<50x128xf32, #tpu.memory_space<hbm>>
        %dma_start3A_141 = arith.constant 0 : i32
        %dma_start3A_142 = arith.constant 0 : i32
        %dma_start3A_143 = tpu.memref_slice %arg4[%add3A_77, %dma_start3A_141, %dma_start3A_142] : memref<4096x50x128xf32, #tpu.memory_space<hbm>> -> memref<1x50x128xf32, #tpu.memory_space<hbm>>
        %dma_start3A_144 = tpu.memref_squeeze %dma_start3A_143 : memref<1x50x128xf32, #tpu.memory_space<hbm>> -> memref<50x128xf32, #tpu.memory_space<hbm>>
        %dma_start3A_145 = arith.constant 150 : i32
        %dma_start3A_146 = arith.constant 0 : i32
        %dma_start3A_147 = tpu.memref_slice %arg7[%dma_start3A_145, %dma_start3A_146] : memref<200x128xf32, #tpu.memory_space<vmem>> -> memref<50x128xf32, #tpu.memory_space<vmem>>
        tpu.enqueue_dma source(%dma_start3A_147 : memref<50x128xf32, #tpu.memory_space<vmem>>) target(%dma_start3A_144 : memref<50x128xf32, #tpu.memory_space<hbm>>) target_semaphore(%run_scoped3A : memref<!tpu.dma_semaphore, #tpu.memory_space<semaphore_mem>>)
        %dma_wait3A_148 = arith.constant 150 : i32
        %dma_wait3A_149 = arith.constant 0 : i32
        %dma_wait3A_150 = tpu.memref_slice %arg7[%dma_wait3A_148, %dma_wait3A_149] : memref<200x128xf32, #tpu.memory_space<vmem>> -> memref<50x128xf32, #tpu.memory_space<vmem>>
        %dma_wait3A_151 = arith.constant 0 : i32
        %dma_wait3A_152 = arith.constant 0 : i32
        %dma_wait3A_153 = tpu.memref_slice %arg4[%add3A_77, %dma_wait3A_151, %dma_wait3A_152] : memref<4096x50x128xf32, #tpu.memory_space<hbm>> -> memref<1x50x128xf32, #tpu.memory_space<hbm>>
        %dma_wait3A_154 = tpu.memref_squeeze %dma_wait3A_153 : memref<1x50x128xf32, #tpu.memory_space<hbm>> -> memref<50x128xf32, #tpu.memory_space<hbm>>
        %dma_wait3A_155 = arith.constant 0 : i32
        %dma_wait3A_156 = arith.constant 0 : i32
        %dma_wait3A_157 = tpu.memref_slice %arg4[%add3A_77, %dma_wait3A_155, %dma_wait3A_156] : memref<4096x50x128xf32, #tpu.memory_space<hbm>> -> memref<1x50x128xf32, #tpu.memory_space<hbm>>
        %dma_wait3A_158 = tpu.memref_squeeze %dma_wait3A_157 : memref<1x50x128xf32, #tpu.memory_space<hbm>> -> memref<50x128xf32, #tpu.memory_space<hbm>>
        %dma_wait3A_159 = arith.constant 150 : i32
        %dma_wait3A_160 = arith.constant 0 : i32
        %dma_wait3A_161 = tpu.memref_slice %arg7[%dma_wait3A_159, %dma_wait3A_160] : memref<200x128xf32, #tpu.memory_space<vmem>> -> memref<50x128xf32, #tpu.memory_space<vmem>>
        tpu.wait_dma2 semaphore(%run_scoped3A : memref<!tpu.dma_semaphore, #tpu.memory_space<semaphore_mem>>) src(%dma_wait3A_161 : memref<50x128xf32, #tpu.memory_space<vmem>>) dst(%dma_wait3A_158 : memref<50x128xf32, #tpu.memory_space<hbm>>)
        tpu.yield
      }) : () -> ()
      %add3A_78 = arith.constant 2 : i32
      %add3A_79 = arith.addi %mul3A_26, %add3A_78 : i32
      %add3A_80 = arith.constant 4 : i32
      %add3A_81 = arith.addi %add3A_79, %add3A_80 : i32
      %sub3A_82 = arith.constant 1 : i32
      %sub3A_83 = arith.subi %add3A_81, %sub3A_82 : i32
      %lt3A_84 = arith.constant 32 : i32
      %lt3A_85 = arith.cmpi slt, %sub3A_83, %lt3A_84 : i32
      %convert_element_type3A_86 = arith.extui %lt3A_85 : i1 to i32
      %cond3A_87 = arith.constant 0 : i32
      %cond3A_88 = arith.cmpi ne, %convert_element_type3A_86, %cond3A_87 : i32
      scf.if %cond3A_88 {
        %mul3A_134 = arith.constant 200 : i32
        %mul3A_135 = arith.muli %sub3A_83, %mul3A_134 : i32
        %dma_start3A_136 = tpu.memref_slice %arg5[%mul3A_135] : memref<6400xi32, #tpu.memory_space<vmem>> -> memref<200xi32, #tpu.memory_space<vmem>>
        %dma_start3A_137 = arith.constant 0 : i32
        %dma_start3A_138 = arith.constant 0 : i32
        %dma_start3A_139 = tpu.memref_slice %arg2[%dma_start3A_137, %dma_start3A_138] : memref<100000x128xf32, #tpu.memory_space<hbm>> -> memref<100000x128xf32, #tpu.memory_space<hbm>>
        tpu.enqueue_indirect_dma source(%dma_start3A_139 : memref<100000x128xf32, #tpu.memory_space<hbm>>) target(%arg7 : memref<200x128xf32, #tpu.memory_space<vmem>>) offsets(%dma_start3A_136 : memref<200xi32, #tpu.memory_space<vmem>>) semaphore(%arg11 : memref<!tpu.dma_semaphore, #tpu.memory_space<semaphore_mem>>)
      } else {
      }
      %mul3A_89 = arith.constant 200 : i32
      %mul3A_90 = arith.muli %add3A_79, %mul3A_89 : i32
      %dma_wait3A_91 = tpu.memref_slice %arg5[%mul3A_90] : memref<6400xi32, #tpu.memory_space<vmem>> -> memref<200xi32, #tpu.memory_space<vmem>>
      %dma_wait3A_92 = arith.constant 0 : i32
      %dma_wait3A_93 = arith.constant 0 : i32
      %dma_wait3A_94 = tpu.memref_slice %arg2[%dma_wait3A_92, %dma_wait3A_93] : memref<100000x128xf32, #tpu.memory_space<hbm>> -> memref<100000x128xf32, #tpu.memory_space<hbm>>
      tpu.wait_indirect_dma semaphore(%arg12 : memref<!tpu.dma_semaphore, #tpu.memory_space<semaphore_mem>>) src(%dma_wait3A_94 : memref<100000x128xf32, #tpu.memory_space<hbm>>) dst(%arg8 : memref<200x128xf32, #tpu.memory_space<vmem>>)
      %mul3A_95 = arith.constant 4 : i32
      %mul3A_96 = arith.muli %add3A_79, %mul3A_95 : i32
      %add3A_97 = arith.addi %mul3A_2, %mul3A_96 : i32
      %add3A_98 = arith.constant 0 : i32
      %add3A_99 = arith.addi %add3A_97, %add3A_98 : i32
      "tpu.region"() ({
        %run_scoped3A = tpu.sem_alloc : memref<!tpu.dma_semaphore, #tpu.memory_space<semaphore_mem>>
        %dma_start3A_134 = arith.constant 0 : i32
        %dma_start3A_135 = arith.constant 0 : i32
        %dma_start3A_136 = tpu.memref_slice %arg8[%dma_start3A_134, %dma_start3A_135] : memref<200x128xf32, #tpu.memory_space<vmem>> -> memref<50x128xf32, #tpu.memory_space<vmem>>
        %dma_start3A_137 = arith.constant 0 : i32
        %dma_start3A_138 = arith.constant 0 : i32
        %dma_start3A_139 = tpu.memref_slice %arg4[%add3A_99, %dma_start3A_137, %dma_start3A_138] : memref<4096x50x128xf32, #tpu.memory_space<hbm>> -> memref<1x50x128xf32, #tpu.memory_space<hbm>>
        %dma_start3A_140 = tpu.memref_squeeze %dma_start3A_139 : memref<1x50x128xf32, #tpu.memory_space<hbm>> -> memref<50x128xf32, #tpu.memory_space<hbm>>
        %dma_start3A_141 = arith.constant 0 : i32
        %dma_start3A_142 = arith.constant 0 : i32
        %dma_start3A_143 = tpu.memref_slice %arg4[%add3A_99, %dma_start3A_141, %dma_start3A_142] : memref<4096x50x128xf32, #tpu.memory_space<hbm>> -> memref<1x50x128xf32, #tpu.memory_space<hbm>>
        %dma_start3A_144 = tpu.memref_squeeze %dma_start3A_143 : memref<1x50x128xf32, #tpu.memory_space<hbm>> -> memref<50x128xf32, #tpu.memory_space<hbm>>
        %dma_start3A_145 = arith.constant 0 : i32
        %dma_start3A_146 = arith.constant 0 : i32
        %dma_start3A_147 = tpu.memref_slice %arg8[%dma_start3A_145, %dma_start3A_146] : memref<200x128xf32, #tpu.memory_space<vmem>> -> memref<50x128xf32, #tpu.memory_space<vmem>>
        tpu.enqueue_dma source(%dma_start3A_147 : memref<50x128xf32, #tpu.memory_space<vmem>>) target(%dma_start3A_144 : memref<50x128xf32, #tpu.memory_space<hbm>>) target_semaphore(%run_scoped3A : memref<!tpu.dma_semaphore, #tpu.memory_space<semaphore_mem>>)
        %dma_wait3A_148 = arith.constant 0 : i32
        %dma_wait3A_149 = arith.constant 0 : i32
        %dma_wait3A_150 = tpu.memref_slice %arg8[%dma_wait3A_148, %dma_wait3A_149] : memref<200x128xf32, #tpu.memory_space<vmem>> -> memref<50x128xf32, #tpu.memory_space<vmem>>
        %dma_wait3A_151 = arith.constant 0 : i32
        %dma_wait3A_152 = arith.constant 0 : i32
        %dma_wait3A_153 = tpu.memref_slice %arg4[%add3A_99, %dma_wait3A_151, %dma_wait3A_152] : memref<4096x50x128xf32, #tpu.memory_space<hbm>> -> memref<1x50x128xf32, #tpu.memory_space<hbm>>
        %dma_wait3A_154 = tpu.memref_squeeze %dma_wait3A_153 : memref<1x50x128xf32, #tpu.memory_space<hbm>> -> memref<50x128xf32, #tpu.memory_space<hbm>>
        %dma_wait3A_155 = arith.constant 0 : i32
        %dma_wait3A_156 = arith.constant 0 : i32
        %dma_wait3A_157 = tpu.memref_slice %arg4[%add3A_99, %dma_wait3A_155, %dma_wait3A_156] : memref<4096x50x128xf32, #tpu.memory_space<hbm>> -> memref<1x50x128xf32, #tpu.memory_space<hbm>>
        %dma_wait3A_158 = tpu.memref_squeeze %dma_wait3A_157 : memref<1x50x128xf32, #tpu.memory_space<hbm>> -> memref<50x128xf32, #tpu.memory_space<hbm>>
        %dma_wait3A_159 = arith.constant 0 : i32
        %dma_wait3A_160 = arith.constant 0 : i32
        %dma_wait3A_161 = tpu.memref_slice %arg8[%dma_wait3A_159, %dma_wait3A_160] : memref<200x128xf32, #tpu.memory_space<vmem>> -> memref<50x128xf32, #tpu.memory_space<vmem>>
        tpu.wait_dma2 semaphore(%run_scoped3A : memref<!tpu.dma_semaphore, #tpu.memory_space<semaphore_mem>>) src(%dma_wait3A_161 : memref<50x128xf32, #tpu.memory_space<vmem>>) dst(%dma_wait3A_158 : memref<50x128xf32, #tpu.memory_space<hbm>>)
        tpu.yield
      }) : () -> ()
      %add3A_100 = arith.constant 1 : i32
      %add3A_101 = arith.addi %add3A_97, %add3A_100 : i32
      "tpu.region"() ({
        %run_scoped3A = tpu.sem_alloc : memref<!tpu.dma_semaphore, #tpu.memory_space<semaphore_mem>>
        %dma_start3A_134 = arith.constant 50 : i32
        %dma_start3A_135 = arith.constant 0 : i32
        %dma_start3A_136 = tpu.memref_slice %arg8[%dma_start3A_134, %dma_start3A_135] : memref<200x128xf32, #tpu.memory_space<vmem>> -> memref<50x128xf32, #tpu.memory_space<vmem>>
        %dma_start3A_137 = arith.constant 0 : i32
        %dma_start3A_138 = arith.constant 0 : i32
        %dma_start3A_139 = tpu.memref_slice %arg4[%add3A_101, %dma_start3A_137, %dma_start3A_138] : memref<4096x50x128xf32, #tpu.memory_space<hbm>> -> memref<1x50x128xf32, #tpu.memory_space<hbm>>
        %dma_start3A_140 = tpu.memref_squeeze %dma_start3A_139 : memref<1x50x128xf32, #tpu.memory_space<hbm>> -> memref<50x128xf32, #tpu.memory_space<hbm>>
        %dma_start3A_141 = arith.constant 0 : i32
        %dma_start3A_142 = arith.constant 0 : i32
        %dma_start3A_143 = tpu.memref_slice %arg4[%add3A_101, %dma_start3A_141, %dma_start3A_142] : memref<4096x50x128xf32, #tpu.memory_space<hbm>> -> memref<1x50x128xf32, #tpu.memory_space<hbm>>
        %dma_start3A_144 = tpu.memref_squeeze %dma_start3A_143 : memref<1x50x128xf32, #tpu.memory_space<hbm>> -> memref<50x128xf32, #tpu.memory_space<hbm>>
        %dma_start3A_145 = arith.constant 50 : i32
        %dma_start3A_146 = arith.constant 0 : i32
        %dma_start3A_147 = tpu.memref_slice %arg8[%dma_start3A_145, %dma_start3A_146] : memref<200x128xf32, #tpu.memory_space<vmem>> -> memref<50x128xf32, #tpu.memory_space<vmem>>
        tpu.enqueue_dma source(%dma_start3A_147 : memref<50x128xf32, #tpu.memory_space<vmem>>) target(%dma_start3A_144 : memref<50x128xf32, #tpu.memory_space<hbm>>) target_semaphore(%run_scoped3A : memref<!tpu.dma_semaphore, #tpu.memory_space<semaphore_mem>>)
        %dma_wait3A_148 = arith.constant 50 : i32
        %dma_wait3A_149 = arith.constant 0 : i32
        %dma_wait3A_150 = tpu.memref_slice %arg8[%dma_wait3A_148, %dma_wait3A_149] : memref<200x128xf32, #tpu.memory_space<vmem>> -> memref<50x128xf32, #tpu.memory_space<vmem>>
        %dma_wait3A_151 = arith.constant 0 : i32
        %dma_wait3A_152 = arith.constant 0 : i32
        %dma_wait3A_153 = tpu.memref_slice %arg4[%add3A_101, %dma_wait3A_151, %dma_wait3A_152] : memref<4096x50x128xf32, #tpu.memory_space<hbm>> -> memref<1x50x128xf32, #tpu.memory_space<hbm>>
        %dma_wait3A_154 = tpu.memref_squeeze %dma_wait3A_153 : memref<1x50x128xf32, #tpu.memory_space<hbm>> -> memref<50x128xf32, #tpu.memory_space<hbm>>
        %dma_wait3A_155 = arith.constant 0 : i32
        %dma_wait3A_156 = arith.constant 0 : i32
        %dma_wait3A_157 = tpu.memref_slice %arg4[%add3A_101, %dma_wait3A_155, %dma_wait3A_156] : memref<4096x50x128xf32, #tpu.memory_space<hbm>> -> memref<1x50x128xf32, #tpu.memory_space<hbm>>
        %dma_wait3A_158 = tpu.memref_squeeze %dma_wait3A_157 : memref<1x50x128xf32, #tpu.memory_space<hbm>> -> memref<50x128xf32, #tpu.memory_space<hbm>>
        %dma_wait3A_159 = arith.constant 50 : i32
        %dma_wait3A_160 = arith.constant 0 : i32
        %dma_wait3A_161 = tpu.memref_slice %arg8[%dma_wait3A_159, %dma_wait3A_160] : memref<200x128xf32, #tpu.memory_space<vmem>> -> memref<50x128xf32, #tpu.memory_space<vmem>>
        tpu.wait_dma2 semaphore(%run_scoped3A : memref<!tpu.dma_semaphore, #tpu.memory_space<semaphore_mem>>) src(%dma_wait3A_161 : memref<50x128xf32, #tpu.memory_space<vmem>>) dst(%dma_wait3A_158 : memref<50x128xf32, #tpu.memory_space<hbm>>)
        tpu.yield
      }) : () -> ()
      %add3A_102 = arith.constant 2 : i32
      %add3A_103 = arith.addi %add3A_97, %add3A_102 : i32
      "tpu.region"() ({
        %run_scoped3A = tpu.sem_alloc : memref<!tpu.dma_semaphore, #tpu.memory_space<semaphore_mem>>
        %dma_start3A_134 = arith.constant 100 : i32
        %dma_start3A_135 = arith.constant 0 : i32
        %dma_start3A_136 = tpu.memref_slice %arg8[%dma_start3A_134, %dma_start3A_135] : memref<200x128xf32, #tpu.memory_space<vmem>> -> memref<50x128xf32, #tpu.memory_space<vmem>>
        %dma_start3A_137 = arith.constant 0 : i32
        %dma_start3A_138 = arith.constant 0 : i32
        %dma_start3A_139 = tpu.memref_slice %arg4[%add3A_103, %dma_start3A_137, %dma_start3A_138] : memref<4096x50x128xf32, #tpu.memory_space<hbm>> -> memref<1x50x128xf32, #tpu.memory_space<hbm>>
        %dma_start3A_140 = tpu.memref_squeeze %dma_start3A_139 : memref<1x50x128xf32, #tpu.memory_space<hbm>> -> memref<50x128xf32, #tpu.memory_space<hbm>>
        %dma_start3A_141 = arith.constant 0 : i32
        %dma_start3A_142 = arith.constant 0 : i32
        %dma_start3A_143 = tpu.memref_slice %arg4[%add3A_103, %dma_start3A_141, %dma_start3A_142] : memref<4096x50x128xf32, #tpu.memory_space<hbm>> -> memref<1x50x128xf32, #tpu.memory_space<hbm>>
        %dma_start3A_144 = tpu.memref_squeeze %dma_start3A_143 : memref<1x50x128xf32, #tpu.memory_space<hbm>> -> memref<50x128xf32, #tpu.memory_space<hbm>>
        %dma_start3A_145 = arith.constant 100 : i32
        %dma_start3A_146 = arith.constant 0 : i32
        %dma_start3A_147 = tpu.memref_slice %arg8[%dma_start3A_145, %dma_start3A_146] : memref<200x128xf32, #tpu.memory_space<vmem>> -> memref<50x128xf32, #tpu.memory_space<vmem>>
        tpu.enqueue_dma source(%dma_start3A_147 : memref<50x128xf32, #tpu.memory_space<vmem>>) target(%dma_start3A_144 : memref<50x128xf32, #tpu.memory_space<hbm>>) target_semaphore(%run_scoped3A : memref<!tpu.dma_semaphore, #tpu.memory_space<semaphore_mem>>)
        %dma_wait3A_148 = arith.constant 100 : i32
        %dma_wait3A_149 = arith.constant 0 : i32
        %dma_wait3A_150 = tpu.memref_slice %arg8[%dma_wait3A_148, %dma_wait3A_149] : memref<200x128xf32, #tpu.memory_space<vmem>> -> memref<50x128xf32, #tpu.memory_space<vmem>>
        %dma_wait3A_151 = arith.constant 0 : i32
        %dma_wait3A_152 = arith.constant 0 : i32
        %dma_wait3A_153 = tpu.memref_slice %arg4[%add3A_103, %dma_wait3A_151, %dma_wait3A_152] : memref<4096x50x128xf32, #tpu.memory_space<hbm>> -> memref<1x50x128xf32, #tpu.memory_space<hbm>>
        %dma_wait3A_154 = tpu.memref_squeeze %dma_wait3A_153 : memref<1x50x128xf32, #tpu.memory_space<hbm>> -> memref<50x128xf32, #tpu.memory_space<hbm>>
        %dma_wait3A_155 = arith.constant 0 : i32
        %dma_wait3A_156 = arith.constant 0 : i32
        %dma_wait3A_157 = tpu.memref_slice %arg4[%add3A_103, %dma_wait3A_155, %dma_wait3A_156] : memref<4096x50x128xf32, #tpu.memory_space<hbm>> -> memref<1x50x128xf32, #tpu.memory_space<hbm>>
        %dma_wait3A_158 = tpu.memref_squeeze %dma_wait3A_157 : memref<1x50x128xf32, #tpu.memory_space<hbm>> -> memref<50x128xf32, #tpu.memory_space<hbm>>
        %dma_wait3A_159 = arith.constant 100 : i32
        %dma_wait3A_160 = arith.constant 0 : i32
        %dma_wait3A_161 = tpu.memref_slice %arg8[%dma_wait3A_159, %dma_wait3A_160] : memref<200x128xf32, #tpu.memory_space<vmem>> -> memref<50x128xf32, #tpu.memory_space<vmem>>
        tpu.wait_dma2 semaphore(%run_scoped3A : memref<!tpu.dma_semaphore, #tpu.memory_space<semaphore_mem>>) src(%dma_wait3A_161 : memref<50x128xf32, #tpu.memory_space<vmem>>) dst(%dma_wait3A_158 : memref<50x128xf32, #tpu.memory_space<hbm>>)
        tpu.yield
      }) : () -> ()
      %add3A_104 = arith.constant 3 : i32
      %add3A_105 = arith.addi %add3A_97, %add3A_104 : i32
      "tpu.region"() ({
        %run_scoped3A = tpu.sem_alloc : memref<!tpu.dma_semaphore, #tpu.memory_space<semaphore_mem>>
        %dma_start3A_134 = arith.constant 150 : i32
        %dma_start3A_135 = arith.constant 0 : i32
        %dma_start3A_136 = tpu.memref_slice %arg8[%dma_start3A_134, %dma_start3A_135] : memref<200x128xf32, #tpu.memory_space<vmem>> -> memref<50x128xf32, #tpu.memory_space<vmem>>
        %dma_start3A_137 = arith.constant 0 : i32
        %dma_start3A_138 = arith.constant 0 : i32
        %dma_start3A_139 = tpu.memref_slice %arg4[%add3A_105, %dma_start3A_137, %dma_start3A_138] : memref<4096x50x128xf32, #tpu.memory_space<hbm>> -> memref<1x50x128xf32, #tpu.memory_space<hbm>>
        %dma_start3A_140 = tpu.memref_squeeze %dma_start3A_139 : memref<1x50x128xf32, #tpu.memory_space<hbm>> -> memref<50x128xf32, #tpu.memory_space<hbm>>
        %dma_start3A_141 = arith.constant 0 : i32
        %dma_start3A_142 = arith.constant 0 : i32
        %dma_start3A_143 = tpu.memref_slice %arg4[%add3A_105, %dma_start3A_141, %dma_start3A_142] : memref<4096x50x128xf32, #tpu.memory_space<hbm>> -> memref<1x50x128xf32, #tpu.memory_space<hbm>>
        %dma_start3A_144 = tpu.memref_squeeze %dma_start3A_143 : memref<1x50x128xf32, #tpu.memory_space<hbm>> -> memref<50x128xf32, #tpu.memory_space<hbm>>
        %dma_start3A_145 = arith.constant 150 : i32
        %dma_start3A_146 = arith.constant 0 : i32
        %dma_start3A_147 = tpu.memref_slice %arg8[%dma_start3A_145, %dma_start3A_146] : memref<200x128xf32, #tpu.memory_space<vmem>> -> memref<50x128xf32, #tpu.memory_space<vmem>>
        tpu.enqueue_dma source(%dma_start3A_147 : memref<50x128xf32, #tpu.memory_space<vmem>>) target(%dma_start3A_144 : memref<50x128xf32, #tpu.memory_space<hbm>>) target_semaphore(%run_scoped3A : memref<!tpu.dma_semaphore, #tpu.memory_space<semaphore_mem>>)
        %dma_wait3A_148 = arith.constant 150 : i32
        %dma_wait3A_149 = arith.constant 0 : i32
        %dma_wait3A_150 = tpu.memref_slice %arg8[%dma_wait3A_148, %dma_wait3A_149] : memref<200x128xf32, #tpu.memory_space<vmem>> -> memref<50x128xf32, #tpu.memory_space<vmem>>
        %dma_wait3A_151 = arith.constant 0 : i32
        %dma_wait3A_152 = arith.constant 0 : i32
        %dma_wait3A_153 = tpu.memref_slice %arg4[%add3A_105, %dma_wait3A_151, %dma_wait3A_152] : memref<4096x50x128xf32, #tpu.memory_space<hbm>> -> memref<1x50x128xf32, #tpu.memory_space<hbm>>
        %dma_wait3A_154 = tpu.memref_squeeze %dma_wait3A_153 : memref<1x50x128xf32, #tpu.memory_space<hbm>> -> memref<50x128xf32, #tpu.memory_space<hbm>>
        %dma_wait3A_155 = arith.constant 0 : i32
        %dma_wait3A_156 = arith.constant 0 : i32
        %dma_wait3A_157 = tpu.memref_slice %arg4[%add3A_105, %dma_wait3A_155, %dma_wait3A_156] : memref<4096x50x128xf32, #tpu.memory_space<hbm>> -> memref<1x50x128xf32, #tpu.memory_space<hbm>>
        %dma_wait3A_158 = tpu.memref_squeeze %dma_wait3A_157 : memref<1x50x128xf32, #tpu.memory_space<hbm>> -> memref<50x128xf32, #tpu.memory_space<hbm>>
        %dma_wait3A_159 = arith.constant 150 : i32
        %dma_wait3A_160 = arith.constant 0 : i32
        %dma_wait3A_161 = tpu.memref_slice %arg8[%dma_wait3A_159, %dma_wait3A_160] : memref<200x128xf32, #tpu.memory_space<vmem>> -> memref<50x128xf32, #tpu.memory_space<vmem>>
        tpu.wait_dma2 semaphore(%run_scoped3A : memref<!tpu.dma_semaphore, #tpu.memory_space<semaphore_mem>>) src(%dma_wait3A_161 : memref<50x128xf32, #tpu.memory_space<vmem>>) dst(%dma_wait3A_158 : memref<50x128xf32, #tpu.memory_space<hbm>>)
        tpu.yield
      }) : () -> ()
      %add3A_106 = arith.constant 3 : i32
      %add3A_107 = arith.addi %mul3A_26, %add3A_106 : i32
      %add3A_108 = arith.constant 4 : i32
      %add3A_109 = arith.addi %add3A_107, %add3A_108 : i32
      %sub3A_110 = arith.constant 1 : i32
      %sub3A_111 = arith.subi %add3A_109, %sub3A_110 : i32
      %lt3A_112 = arith.constant 32 : i32
      %lt3A_113 = arith.cmpi slt, %sub3A_111, %lt3A_112 : i32
      %convert_element_type3A_114 = arith.extui %lt3A_113 : i1 to i32
      %cond3A_115 = arith.constant 0 : i32
      %cond3A_116 = arith.cmpi ne, %convert_element_type3A_114, %cond3A_115 : i32
      scf.if %cond3A_116 {
        %mul3A_134 = arith.constant 200 : i32
        %mul3A_135 = arith.muli %sub3A_111, %mul3A_134 : i32
        %dma_start3A_136 = tpu.memref_slice %arg5[%mul3A_135] : memref<6400xi32, #tpu.memory_space<vmem>> -> memref<200xi32, #tpu.memory_space<vmem>>
        %dma_start3A_137 = arith.constant 0 : i32
        %dma_start3A_138 = arith.constant 0 : i32
        %dma_start3A_139 = tpu.memref_slice %arg2[%dma_start3A_137, %dma_start3A_138] : memref<100000x128xf32, #tpu.memory_space<hbm>> -> memref<100000x128xf32, #tpu.memory_space<hbm>>
        tpu.enqueue_indirect_dma source(%dma_start3A_139 : memref<100000x128xf32, #tpu.memory_space<hbm>>) target(%arg8 : memref<200x128xf32, #tpu.memory_space<vmem>>) offsets(%dma_start3A_136 : memref<200xi32, #tpu.memory_space<vmem>>) semaphore(%arg12 : memref<!tpu.dma_semaphore, #tpu.memory_space<semaphore_mem>>)
      } else {
      }
      %mul3A_117 = arith.constant 200 : i32
      %mul3A_118 = arith.muli %add3A_107, %mul3A_117 : i32
      %dma_wait3A_119 = tpu.memref_slice %arg5[%mul3A_118] : memref<6400xi32, #tpu.memory_space<vmem>> -> memref<200xi32, #tpu.memory_space<vmem>>
      %dma_wait3A_120 = arith.constant 0 : i32
      %dma_wait3A_121 = arith.constant 0 : i32
      %dma_wait3A_122 = tpu.memref_slice %arg2[%dma_wait3A_120, %dma_wait3A_121] : memref<100000x128xf32, #tpu.memory_space<hbm>> -> memref<100000x128xf32, #tpu.memory_space<hbm>>
      tpu.wait_indirect_dma semaphore(%arg13 : memref<!tpu.dma_semaphore, #tpu.memory_space<semaphore_mem>>) src(%dma_wait3A_122 : memref<100000x128xf32, #tpu.memory_space<hbm>>) dst(%arg9 : memref<200x128xf32, #tpu.memory_space<vmem>>)
      %mul3A_123 = arith.constant 4 : i32
      %mul3A_124 = arith.muli %add3A_107, %mul3A_123 : i32
      %add3A_125 = arith.addi %mul3A_2, %mul3A_124 : i32
      %add3A_126 = arith.constant 0 : i32
      %add3A_127 = arith.addi %add3A_125, %add3A_126 : i32
      "tpu.region"() ({
        %run_scoped3A = tpu.sem_alloc : memref<!tpu.dma_semaphore, #tpu.memory_space<semaphore_mem>>
        %dma_start3A_134 = arith.constant 0 : i32
        %dma_start3A_135 = arith.constant 0 : i32
        %dma_start3A_136 = tpu.memref_slice %arg9[%dma_start3A_134, %dma_start3A_135] : memref<200x128xf32, #tpu.memory_space<vmem>> -> memref<50x128xf32, #tpu.memory_space<vmem>>
        %dma_start3A_137 = arith.constant 0 : i32
        %dma_start3A_138 = arith.constant 0 : i32
        %dma_start3A_139 = tpu.memref_slice %arg4[%add3A_127, %dma_start3A_137, %dma_start3A_138] : memref<4096x50x128xf32, #tpu.memory_space<hbm>> -> memref<1x50x128xf32, #tpu.memory_space<hbm>>
        %dma_start3A_140 = tpu.memref_squeeze %dma_start3A_139 : memref<1x50x128xf32, #tpu.memory_space<hbm>> -> memref<50x128xf32, #tpu.memory_space<hbm>>
        %dma_start3A_141 = arith.constant 0 : i32
        %dma_start3A_142 = arith.constant 0 : i32
        %dma_start3A_143 = tpu.memref_slice %arg4[%add3A_127, %dma_start3A_141, %dma_start3A_142] : memref<4096x50x128xf32, #tpu.memory_space<hbm>> -> memref<1x50x128xf32, #tpu.memory_space<hbm>>
        %dma_start3A_144 = tpu.memref_squeeze %dma_start3A_143 : memref<1x50x128xf32, #tpu.memory_space<hbm>> -> memref<50x128xf32, #tpu.memory_space<hbm>>
        %dma_start3A_145 = arith.constant 0 : i32
        %dma_start3A_146 = arith.constant 0 : i32
        %dma_start3A_147 = tpu.memref_slice %arg9[%dma_start3A_145, %dma_start3A_146] : memref<200x128xf32, #tpu.memory_space<vmem>> -> memref<50x128xf32, #tpu.memory_space<vmem>>
        tpu.enqueue_dma source(%dma_start3A_147 : memref<50x128xf32, #tpu.memory_space<vmem>>) target(%dma_start3A_144 : memref<50x128xf32, #tpu.memory_space<hbm>>) target_semaphore(%run_scoped3A : memref<!tpu.dma_semaphore, #tpu.memory_space<semaphore_mem>>)
        %dma_wait3A_148 = arith.constant 0 : i32
        %dma_wait3A_149 = arith.constant 0 : i32
        %dma_wait3A_150 = tpu.memref_slice %arg9[%dma_wait3A_148, %dma_wait3A_149] : memref<200x128xf32, #tpu.memory_space<vmem>> -> memref<50x128xf32, #tpu.memory_space<vmem>>
        %dma_wait3A_151 = arith.constant 0 : i32
        %dma_wait3A_152 = arith.constant 0 : i32
        %dma_wait3A_153 = tpu.memref_slice %arg4[%add3A_127, %dma_wait3A_151, %dma_wait3A_152] : memref<4096x50x128xf32, #tpu.memory_space<hbm>> -> memref<1x50x128xf32, #tpu.memory_space<hbm>>
        %dma_wait3A_154 = tpu.memref_squeeze %dma_wait3A_153 : memref<1x50x128xf32, #tpu.memory_space<hbm>> -> memref<50x128xf32, #tpu.memory_space<hbm>>
        %dma_wait3A_155 = arith.constant 0 : i32
        %dma_wait3A_156 = arith.constant 0 : i32
        %dma_wait3A_157 = tpu.memref_slice %arg4[%add3A_127, %dma_wait3A_155, %dma_wait3A_156] : memref<4096x50x128xf32, #tpu.memory_space<hbm>> -> memref<1x50x128xf32, #tpu.memory_space<hbm>>
        %dma_wait3A_158 = tpu.memref_squeeze %dma_wait3A_157 : memref<1x50x128xf32, #tpu.memory_space<hbm>> -> memref<50x128xf32, #tpu.memory_space<hbm>>
        %dma_wait3A_159 = arith.constant 0 : i32
        %dma_wait3A_160 = arith.constant 0 : i32
        %dma_wait3A_161 = tpu.memref_slice %arg9[%dma_wait3A_159, %dma_wait3A_160] : memref<200x128xf32, #tpu.memory_space<vmem>> -> memref<50x128xf32, #tpu.memory_space<vmem>>
        tpu.wait_dma2 semaphore(%run_scoped3A : memref<!tpu.dma_semaphore, #tpu.memory_space<semaphore_mem>>) src(%dma_wait3A_161 : memref<50x128xf32, #tpu.memory_space<vmem>>) dst(%dma_wait3A_158 : memref<50x128xf32, #tpu.memory_space<hbm>>)
        tpu.yield
      }) : () -> ()
      %add3A_128 = arith.constant 1 : i32
      %add3A_129 = arith.addi %add3A_125, %add3A_128 : i32
      "tpu.region"() ({
        %run_scoped3A = tpu.sem_alloc : memref<!tpu.dma_semaphore, #tpu.memory_space<semaphore_mem>>
        %dma_start3A_134 = arith.constant 50 : i32
        %dma_start3A_135 = arith.constant 0 : i32
        %dma_start3A_136 = tpu.memref_slice %arg9[%dma_start3A_134, %dma_start3A_135] : memref<200x128xf32, #tpu.memory_space<vmem>> -> memref<50x128xf32, #tpu.memory_space<vmem>>
        %dma_start3A_137 = arith.constant 0 : i32
        %dma_start3A_138 = arith.constant 0 : i32
        %dma_start3A_139 = tpu.memref_slice %arg4[%add3A_129, %dma_start3A_137, %dma_start3A_138] : memref<4096x50x128xf32, #tpu.memory_space<hbm>> -> memref<1x50x128xf32, #tpu.memory_space<hbm>>
        %dma_start3A_140 = tpu.memref_squeeze %dma_start3A_139 : memref<1x50x128xf32, #tpu.memory_space<hbm>> -> memref<50x128xf32, #tpu.memory_space<hbm>>
        %dma_start3A_141 = arith.constant 0 : i32
        %dma_start3A_142 = arith.constant 0 : i32
        %dma_start3A_143 = tpu.memref_slice %arg4[%add3A_129, %dma_start3A_141, %dma_start3A_142] : memref<4096x50x128xf32, #tpu.memory_space<hbm>> -> memref<1x50x128xf32, #tpu.memory_space<hbm>>
        %dma_start3A_144 = tpu.memref_squeeze %dma_start3A_143 : memref<1x50x128xf32, #tpu.memory_space<hbm>> -> memref<50x128xf32, #tpu.memory_space<hbm>>
        %dma_start3A_145 = arith.constant 50 : i32
        %dma_start3A_146 = arith.constant 0 : i32
        %dma_start3A_147 = tpu.memref_slice %arg9[%dma_start3A_145, %dma_start3A_146] : memref<200x128xf32, #tpu.memory_space<vmem>> -> memref<50x128xf32, #tpu.memory_space<vmem>>
        tpu.enqueue_dma source(%dma_start3A_147 : memref<50x128xf32, #tpu.memory_space<vmem>>) target(%dma_start3A_144 : memref<50x128xf32, #tpu.memory_space<hbm>>) target_semaphore(%run_scoped3A : memref<!tpu.dma_semaphore, #tpu.memory_space<semaphore_mem>>)
        %dma_wait3A_148 = arith.constant 50 : i32
        %dma_wait3A_149 = arith.constant 0 : i32
        %dma_wait3A_150 = tpu.memref_slice %arg9[%dma_wait3A_148, %dma_wait3A_149] : memref<200x128xf32, #tpu.memory_space<vmem>> -> memref<50x128xf32, #tpu.memory_space<vmem>>
        %dma_wait3A_151 = arith.constant 0 : i32
        %dma_wait3A_152 = arith.constant 0 : i32
        %dma_wait3A_153 = tpu.memref_slice %arg4[%add3A_129, %dma_wait3A_151, %dma_wait3A_152] : memref<4096x50x128xf32, #tpu.memory_space<hbm>> -> memref<1x50x128xf32, #tpu.memory_space<hbm>>
        %dma_wait3A_154 = tpu.memref_squeeze %dma_wait3A_153 : memref<1x50x128xf32, #tpu.memory_space<hbm>> -> memref<50x128xf32, #tpu.memory_space<hbm>>
        %dma_wait3A_155 = arith.constant 0 : i32
        %dma_wait3A_156 = arith.constant 0 : i32
        %dma_wait3A_157 = tpu.memref_slice %arg4[%add3A_129, %dma_wait3A_155, %dma_wait3A_156] : memref<4096x50x128xf32, #tpu.memory_space<hbm>> -> memref<1x50x128xf32, #tpu.memory_space<hbm>>
        %dma_wait3A_158 = tpu.memref_squeeze %dma_wait3A_157 : memref<1x50x128xf32, #tpu.memory_space<hbm>> -> memref<50x128xf32, #tpu.memory_space<hbm>>
        %dma_wait3A_159 = arith.constant 50 : i32
        %dma_wait3A_160 = arith.constant 0 : i32
        %dma_wait3A_161 = tpu.memref_slice %arg9[%dma_wait3A_159, %dma_wait3A_160] : memref<200x128xf32, #tpu.memory_space<vmem>> -> memref<50x128xf32, #tpu.memory_space<vmem>>
        tpu.wait_dma2 semaphore(%run_scoped3A : memref<!tpu.dma_semaphore, #tpu.memory_space<semaphore_mem>>) src(%dma_wait3A_161 : memref<50x128xf32, #tpu.memory_space<vmem>>) dst(%dma_wait3A_158 : memref<50x128xf32, #tpu.memory_space<hbm>>)
        tpu.yield
      }) : () -> ()
      %add3A_130 = arith.constant 2 : i32
      %add3A_131 = arith.addi %add3A_125, %add3A_130 : i32
      "tpu.region"() ({
        %run_scoped3A = tpu.sem_alloc : memref<!tpu.dma_semaphore, #tpu.memory_space<semaphore_mem>>
        %dma_start3A_134 = arith.constant 100 : i32
        %dma_start3A_135 = arith.constant 0 : i32
        %dma_start3A_136 = tpu.memref_slice %arg9[%dma_start3A_134, %dma_start3A_135] : memref<200x128xf32, #tpu.memory_space<vmem>> -> memref<50x128xf32, #tpu.memory_space<vmem>>
        %dma_start3A_137 = arith.constant 0 : i32
        %dma_start3A_138 = arith.constant 0 : i32
        %dma_start3A_139 = tpu.memref_slice %arg4[%add3A_131, %dma_start3A_137, %dma_start3A_138] : memref<4096x50x128xf32, #tpu.memory_space<hbm>> -> memref<1x50x128xf32, #tpu.memory_space<hbm>>
        %dma_start3A_140 = tpu.memref_squeeze %dma_start3A_139 : memref<1x50x128xf32, #tpu.memory_space<hbm>> -> memref<50x128xf32, #tpu.memory_space<hbm>>
        %dma_start3A_141 = arith.constant 0 : i32
        %dma_start3A_142 = arith.constant 0 : i32
        %dma_start3A_143 = tpu.memref_slice %arg4[%add3A_131, %dma_start3A_141, %dma_start3A_142] : memref<4096x50x128xf32, #tpu.memory_space<hbm>> -> memref<1x50x128xf32, #tpu.memory_space<hbm>>
        %dma_start3A_144 = tpu.memref_squeeze %dma_start3A_143 : memref<1x50x128xf32, #tpu.memory_space<hbm>> -> memref<50x128xf32, #tpu.memory_space<hbm>>
        %dma_start3A_145 = arith.constant 100 : i32
        %dma_start3A_146 = arith.constant 0 : i32
        %dma_start3A_147 = tpu.memref_slice %arg9[%dma_start3A_145, %dma_start3A_146] : memref<200x128xf32, #tpu.memory_space<vmem>> -> memref<50x128xf32, #tpu.memory_space<vmem>>
        tpu.enqueue_dma source(%dma_start3A_147 : memref<50x128xf32, #tpu.memory_space<vmem>>) target(%dma_start3A_144 : memref<50x128xf32, #tpu.memory_space<hbm>>) target_semaphore(%run_scoped3A : memref<!tpu.dma_semaphore, #tpu.memory_space<semaphore_mem>>)
        %dma_wait3A_148 = arith.constant 100 : i32
        %dma_wait3A_149 = arith.constant 0 : i32
        %dma_wait3A_150 = tpu.memref_slice %arg9[%dma_wait3A_148, %dma_wait3A_149] : memref<200x128xf32, #tpu.memory_space<vmem>> -> memref<50x128xf32, #tpu.memory_space<vmem>>
        %dma_wait3A_151 = arith.constant 0 : i32
        %dma_wait3A_152 = arith.constant 0 : i32
        %dma_wait3A_153 = tpu.memref_slice %arg4[%add3A_131, %dma_wait3A_151, %dma_wait3A_152] : memref<4096x50x128xf32, #tpu.memory_space<hbm>> -> memref<1x50x128xf32, #tpu.memory_space<hbm>>
        %dma_wait3A_154 = tpu.memref_squeeze %dma_wait3A_153 : memref<1x50x128xf32, #tpu.memory_space<hbm>> -> memref<50x128xf32, #tpu.memory_space<hbm>>
        %dma_wait3A_155 = arith.constant 0 : i32
        %dma_wait3A_156 = arith.constant 0 : i32
        %dma_wait3A_157 = tpu.memref_slice %arg4[%add3A_131, %dma_wait3A_155, %dma_wait3A_156] : memref<4096x50x128xf32, #tpu.memory_space<hbm>> -> memref<1x50x128xf32, #tpu.memory_space<hbm>>
        %dma_wait3A_158 = tpu.memref_squeeze %dma_wait3A_157 : memref<1x50x128xf32, #tpu.memory_space<hbm>> -> memref<50x128xf32, #tpu.memory_space<hbm>>
        %dma_wait3A_159 = arith.constant 100 : i32
        %dma_wait3A_160 = arith.constant 0 : i32
        %dma_wait3A_161 = tpu.memref_slice %arg9[%dma_wait3A_159, %dma_wait3A_160] : memref<200x128xf32, #tpu.memory_space<vmem>> -> memref<50x128xf32, #tpu.memory_space<vmem>>
        tpu.wait_dma2 semaphore(%run_scoped3A : memref<!tpu.dma_semaphore, #tpu.memory_space<semaphore_mem>>) src(%dma_wait3A_161 : memref<50x128xf32, #tpu.memory_space<vmem>>) dst(%dma_wait3A_158 : memref<50x128xf32, #tpu.memory_space<hbm>>)
        tpu.yield
      }) : () -> ()
      %add3A_132 = arith.constant 3 : i32
      %add3A_133 = arith.addi %add3A_125, %add3A_132 : i32
      "tpu.region"() ({
        %run_scoped3A = tpu.sem_alloc : memref<!tpu.dma_semaphore, #tpu.memory_space<semaphore_mem>>
        %dma_start3A_134 = arith.constant 150 : i32
        %dma_start3A_135 = arith.constant 0 : i32
        %dma_start3A_136 = tpu.memref_slice %arg9[%dma_start3A_134, %dma_start3A_135] : memref<200x128xf32, #tpu.memory_space<vmem>> -> memref<50x128xf32, #tpu.memory_space<vmem>>
        %dma_start3A_137 = arith.constant 0 : i32
        %dma_start3A_138 = arith.constant 0 : i32
        %dma_start3A_139 = tpu.memref_slice %arg4[%add3A_133, %dma_start3A_137, %dma_start3A_138] : memref<4096x50x128xf32, #tpu.memory_space<hbm>> -> memref<1x50x128xf32, #tpu.memory_space<hbm>>
        %dma_start3A_140 = tpu.memref_squeeze %dma_start3A_139 : memref<1x50x128xf32, #tpu.memory_space<hbm>> -> memref<50x128xf32, #tpu.memory_space<hbm>>
        %dma_start3A_141 = arith.constant 0 : i32
        %dma_start3A_142 = arith.constant 0 : i32
        %dma_start3A_143 = tpu.memref_slice %arg4[%add3A_133, %dma_start3A_141, %dma_start3A_142] : memref<4096x50x128xf32, #tpu.memory_space<hbm>> -> memref<1x50x128xf32, #tpu.memory_space<hbm>>
        %dma_start3A_144 = tpu.memref_squeeze %dma_start3A_143 : memref<1x50x128xf32, #tpu.memory_space<hbm>> -> memref<50x128xf32, #tpu.memory_space<hbm>>
        %dma_start3A_145 = arith.constant 150 : i32
        %dma_start3A_146 = arith.constant 0 : i32
        %dma_start3A_147 = tpu.memref_slice %arg9[%dma_start3A_145, %dma_start3A_146] : memref<200x128xf32, #tpu.memory_space<vmem>> -> memref<50x128xf32, #tpu.memory_space<vmem>>
        tpu.enqueue_dma source(%dma_start3A_147 : memref<50x128xf32, #tpu.memory_space<vmem>>) target(%dma_start3A_144 : memref<50x128xf32, #tpu.memory_space<hbm>>) target_semaphore(%run_scoped3A : memref<!tpu.dma_semaphore, #tpu.memory_space<semaphore_mem>>)
        %dma_wait3A_148 = arith.constant 150 : i32
        %dma_wait3A_149 = arith.constant 0 : i32
        %dma_wait3A_150 = tpu.memref_slice %arg9[%dma_wait3A_148, %dma_wait3A_149] : memref<200x128xf32, #tpu.memory_space<vmem>> -> memref<50x128xf32, #tpu.memory_space<vmem>>
        %dma_wait3A_151 = arith.constant 0 : i32
        %dma_wait3A_152 = arith.constant 0 : i32
        %dma_wait3A_153 = tpu.memref_slice %arg4[%add3A_133, %dma_wait3A_151, %dma_wait3A_152] : memref<4096x50x128xf32, #tpu.memory_space<hbm>> -> memref<1x50x128xf32, #tpu.memory_space<hbm>>
        %dma_wait3A_154 = tpu.memref_squeeze %dma_wait3A_153 : memref<1x50x128xf32, #tpu.memory_space<hbm>> -> memref<50x128xf32, #tpu.memory_space<hbm>>
        %dma_wait3A_155 = arith.constant 0 : i32
        %dma_wait3A_156 = arith.constant 0 : i32
        %dma_wait3A_157 = tpu.memref_slice %arg4[%add3A_133, %dma_wait3A_155, %dma_wait3A_156] : memref<4096x50x128xf32, #tpu.memory_space<hbm>> -> memref<1x50x128xf32, #tpu.memory_space<hbm>>
        %dma_wait3A_158 = tpu.memref_squeeze %dma_wait3A_157 : memref<1x50x128xf32, #tpu.memory_space<hbm>> -> memref<50x128xf32, #tpu.memory_space<hbm>>
        %dma_wait3A_159 = arith.constant 150 : i32
        %dma_wait3A_160 = arith.constant 0 : i32
        %dma_wait3A_161 = tpu.memref_slice %arg9[%dma_wait3A_159, %dma_wait3A_160] : memref<200x128xf32, #tpu.memory_space<vmem>> -> memref<50x128xf32, #tpu.memory_space<vmem>>
        tpu.wait_dma2 semaphore(%run_scoped3A : memref<!tpu.dma_semaphore, #tpu.memory_space<semaphore_mem>>) src(%dma_wait3A_161 : memref<50x128xf32, #tpu.memory_space<vmem>>) dst(%dma_wait3A_158 : memref<50x128xf32, #tpu.memory_space<hbm>>)
        tpu.yield
      }) : () -> ()
    }
    %scan3A_23 = arith.constant 8 : i32
    return
  }
}

</mosaic_0001>

<sc_bundles>
// kernel: kernel.3.cloned.1.call-start
scs
__scs_entry_jumppad:
0x0: {  	(pc) =	sbr.rel $0x88, $3  }
0x1: {  	(tag) =	ssettag $0x0;
	lr =	simm.s32 $0x1  }
0x2: {  	[smem:$0x3F9F] =	sst lr;
	_ =	strace $0xD0000000  }
0x3: {  	_ = 	snop  }
0x4: {  	_ = 	snop  }
0x5: {  	_ = 	snop  }
0x6: {  	_ = 	snop  }
0x7: {  	_ = 	snop  }
__scs_overlays_trampoline_lowered:
0x8: {  	[smem:$0x3FAE] =	sst s0  }
0x9: {  	[smem:$0x3FAF] =	sst s1  }
0xa: {  	[smem:$0x3FB0] =	sst s2  }
0xb: {  	[smem:$0x3FB1] =	sst s3  }
0xc: {  	[smem:$0x3FB2] =	sst s4  }
0xd: {  	[smem:$0x3FB3] =	sst s5  }
0xe: {  	[smem:$0x3FB4] =	sst s6  }
0xf: {  	[smem:$0x3FB5] =	sst s7  }
0x10: {  	[smem:$0x3FB6] =	sst s8  }
0x11: {  	[smem:$0x3FB7] =	sst s9;
	s0 =	simm.s32 @!p0 $0x0  }
0x12: {  	s1 =	sld [smem:$0x3F9D];
	s0 =	simm.s32 @p0 $0x1  }
0x13: {  	[smem:$0x3FB8] =	sst s0;
	s0 =	simm.s32 @!p1 $0x0  }
0x14: {  	s2 =	sld [smem:$0x3F9C];
	s0 =	simm.s32 @p1 $0x1  }
0x15: {  	[smem:$0x3FB9] =	sst s0;
	s0 =	simm.s32 @!p2 $0x0  }
0x16: {  	s3 =	sld [smem:$0x3FDB];
	s0 =	simm.s32 @p2 $0x1  }
0x17: {  	s4 =	simm.s32 $0x1BF5;
	[smem:$0x3FBB] =	sst s0  }
0x18: {  	s0 =	sld [smem:$0x3F9E];
	_ =	swait.ge [sflag:s4], $0x0  }
0x19: {  	s7 =	sld [smem:$0x3F9F]  }
0x1a: {  	s8 =	sadd.s32 $0xFFFFE003, lr  }
0x1b: {  	s9 =	sadd.s32 $0xFFFFFEF7, lr;
	s5 =	simm.s32 $0xFFFFFFFF;
	p2 =	slt.u32 s8, $0xFFFFF086  }
0x1c: {  	p1 =	slt.u32 s9, $0xF7A;
	s5 =	simm.s32 @!p2 $0x0  }
0x1d: {  	s5 =	simm.s32 @p1 $0x1;
	p0 =	seq.s32 s7, s2  }
0x1e: {  	s7 =	smul.u32 @!p0 $0xF7A, s2;
	p2 =	seq.s32 @!p0 s5, $0x0  }
0x1f: {  	s9 =	smul.u32 $0xF7A, s1;
	s8 =	simm.s32 @!p0 $0x1BF5;
	p2 =	por !p2, p0  }
0x20: {  	[sflag:s8] =	ssyncset.s32 @!p0 $0xFFFFF086;
	s6 =	sadd.s32 @!p0 s3, s7;
	s7 =	simm.s32 @!p0 $0x108  }
0x21: {  	s3 =	sadd.s32 s3, s9;
	s6 =	sadd.s32 @!p0 $0x88, s6;
	s7 =	simm.s32 @p2 $0x1082  }
0x22: {  	[simem:s7], [sflag:s8] =	dma.local @!p0 [hbm:s6], $0xF7A  }
0x23: {  	s9 =	sor.u32 $0xD0000000, s2;
	s6 =	simm.s32 $0x108;
	_ =	swait.ge @!p0 [sflag:s8], $0x0  }
0x24: {  	s3 =	sadd.s32 $0x88, s3;
	s6 =	simm.s32 @!p1 $0x1082;
	[sflag:s4] =	ssyncset.s32 $0xFFFFF086  }
0x25: {  	[simem:s6], [sflag:s4] =	dma.local [hbm:s3], $0xF7A  }
0x26: {  	[smem:$0x3F9F] =	sst s1;
	(tag) =	ssettag s2;
	_ =	strace s9  }
0x27: {  	s1 =	sld [smem:$0x3FAF]  }
0x28: {  	s2 =	sld [smem:$0x3FB0]  }
0x29: {  	s4 =	sld [smem:$0x3FB2]  }
0x2a: {  	p0 =	seq.s32 s5, $0x0;
	s5 =	sld [smem:$0x3FB3]  }
0x2b: {  	s6 =	sld [smem:$0x3FB4]  }
0x2c: {  	s7 =	sld [smem:$0x3FB5]  }
0x2d: {  	s3 =	simm.s32 $0x108;
	s8 =	sld [smem:$0x3FB6]  }
0x2e: {  	s3 =	simm.s32 @!p0 $0x1082;
	s9 =	sld [smem:$0x3FB7]  }
0x2f: {  	lr =	sadd.s32 s0, s3;
	s0 =	sld [smem:$0x3FAE]  }
0x30: {  	s3 =	sld [smem:$0x3FB1]  }
0x31: {  	[smem:$0x3FBA] =	sst s10  }
0x32: {  	s10 =	sld [smem:$0x3FB8];
	_ =	sdelay $0x3  }
0x33: {  	p0 =	seq.s32 s10, $0x1;
	s10 =	sld [smem:$0x3FBA];
	_ =	sdelay $0x3  }
0x34: {  	[smem:$0x3FBA] =	sst s10  }
0x35: {  	s10 =	sld [smem:$0x3FB9];
	_ =	sdelay $0x3  }
0x36: {  	p1 =	seq.s32 s10, $0x1;
	s10 =	sld [smem:$0x3FBA];
	_ =	sdelay $0x3  }
0x37: {  	[smem:$0x3FBA] =	sst s10  }
0x38: {  	s10 =	sld [smem:$0x3FBB]  }
0x39: {  	_ = 	snop;
	(pc) =	sbr.ind lr, $3  }
0x3a: {  	_ = 	snop  }
0x3b: {  	_ = 	snop  }
0x3c: {  	p2 =	seq.s32 s10, $0x1;
	s10 =	sld [smem:$0x3FBA]  }
0x3d: {  	_ =	shalt  }
0x3e: {  	_ =	shalt  }
0x3f: {  	_ =	shalt  }
0x40: {  	_ =	shalt  }
0x41: {  	_ =	shalt  }
0x42: {  	_ =	shalt  }
0x43: {  	_ =	shalt  }
0x44: {  	_ =	shalt  }
0x45: {  	_ =	shalt  }
0x46: {  	_ =	shalt  }
0x47: {  	_ =	shalt  }
0x48: {  	_ =	shalt  }
0x49: {  	_ =	shalt  }
0x4a: {  	_ =	shalt  }
0x4b: {  	_ =	shalt  }
0x4c: {  	_ =	shalt  }
0x4d: {  	_ =	shalt  }
0x4e: {  	_ =	shalt  }
0x4f: {  	_ =	shalt  }
0x50: {  	_ =	shalt  }
0x51: {  	_ =	shalt  }
0x52: {  	_ =	shalt  }
0x53: {  	_ =	shalt  }
0x54: {  	_ =	shalt  }
0x55: {  	_ =	shalt  }
0x56: {  	_ =	shalt  }
0x57: {  	_ =	shalt  }
0x58: {  	_ =	shalt  }
0x59: {  	_ =	shalt  }
0x5a: {  	_ =	shalt  }
0x5b: {  	_ =	shalt  }
0x5c: {  	_ =	shalt  }
0x5d: {  	_ =	shalt  }
0x5e: {  	_ =	shalt  }
0x5f: {  	_ =	shalt  }
0x60: {  	_ =	shalt  }
0x61: {  	_ =	shalt  }
0x62: {  	_ =	shalt  }
0x63: {  	_ =	shalt  }
0x64: {  	_ =	shalt  }
0x65: {  	_ =	shalt  }
0x66: {  	_ =	shalt  }
0x67: {  	_ =	shalt  }
0x68: {  	_ =	shalt  }
0x69: {  	_ =	shalt  }
0x6a: {  	_ =	shalt  }
0x6b: {  	_ =	shalt  }
0x6c: {  	_ =	shalt  }
0x6d: {  	_ =	shalt  }
0x6e: {  	_ =	shalt  }
0x6f: {  	_ =	shalt  }
0x70: {  	_ =	shalt  }
0x71: {  	_ =	shalt  }
0x72: {  	_ =	shalt  }
0x73: {  	_ =	shalt  }
0x74: {  	_ =	shalt  }
0x75: {  	_ =	shalt  }
0x76: {  	_ =	shalt  }
0x77: {  	_ =	shalt  }
0x78: {  	_ =	shalt  }
0x79: {  	_ =	shalt  }
0x7a: {  	_ =	shalt  }
0x7b: {  	_ =	shalt  }
0x7c: {  	_ =	shalt  }
0x7d: {  	_ =	shalt  }
0x7e: {  	_ =	shalt  }
0x7f: {  	_ =	shalt  }
0x80: {  	_ =	shalt  }
0x81: {  	_ =	shalt  }
0x82: {  	_ =	shalt  }
0x83: {  	_ =	shalt  }
0x84: {  	_ =	shalt  }
0x85: {  	_ =	shalt  }
0x86: {  	_ =	shalt  }
0x87: {  	_ =	shalt  }
.Lfunc_end0:
.L_simem_size_0:
called_computation_lowered:
.L_overlay_start_0:
0x88: {  	s2 =	sld [smem:$0x3FD9]  }
0x89: {  	s3 =	sld [smem:$0x3FFE];
	_ =	sdelay $0x1  }
0x8a: {  	s1 =	srdreg.scid  }
0x8b: {  	s0 =	sand.u32 $0x1, s1  }
0x8c: {  	s17 =	sshll.u32 s0, $0xA;
	s2 =	sadd.s32 s3, s2  }
0x8d: {  	s2 =	sadd.s32 s2, s17  }
0x8e: {  	[smem:$0x3FC6] =	sst s2  }
0x8f: {  	_ = 	snop  }
0x90: {  	s2 =	sld [smem:$0x3FC8]  }
0x91: {  	s18 =	sld [smem:$0x3FD0];
	(tm) =	ssettm $0x1  }
0x92: {  	s4 =	sld [smem:$0x3FFB];
	_ =	sdelay $0x3  }
0x93: {  	_ =	strace s4  }
0x94: {  	s4 =	sld [smem:$0x3FFC];
	_ =	sdelay $0x3  }
0x95: {  	_ =	strace s4  }
0x96: {  	s4 =	sld [smem:$0x3FFD];
	_ =	sdelay $0x3  }
0x97: {  	_ =	strace s4  }
0x98: {  	_ =	strace $0x8FFFFFFF  }
0x99: {  	s19 =	sld [smem:$0x3FDB];
	_ =	sdelay $0x1  }
0x9a: {  	s5 =	simm.s32 $_scs_section_size  }
0x9b: {  	s6 =	simm.s32 $_size__tile_overlayer_lowered;
	s7 =	simm.s32 $_tile_overlayer_lowered  }
0x9c: {  	s22 =	simm.s32 $0x1BFF;
	s21 =	sshll.u32 s7, $0x1;
	s4 =	sadd.s32 s5, s19  }
0x9d: {  	s8 =	simm.s32 $0x0;
	s20 =	sshll.u32 s6, $0x1;
	s6 =	sadd.s32 s21, s4  }
0x9e: {  	[timem:s8], [sflag:s22] =	dma.local [hbm:s6], s20  }
0x9f: {  	_ =	swait.ge [sflag:s22], s20  }
0xa0: {  	s5 =	ssub.s32 $0x0, s20;
	[sflag:s22] =	ssyncset.done $0x0  }
0xa1: {  	[sflag:s22] =	ssyncadd.s32 s5;
	_ =	sdelay $0x1  }
0xa2: {  	s23 =	simm.s32 $0x1B8B  }
0xa3: {  	_ =	swait.ge [sflag:s23], $0x1  }
0xa4: {  	[sflag:s23] =	ssyncset.done $0x0  }
0xa5: {  	s25 =	simm.s32 $0x1B8E;
	s24 =	sld [smem:$0x3FFE];
	[sflag:s23] =	ssyncadd.s32 $0xFFFFFFFF  }
0xa6: {  	s26 =	simm.s32 $execute0_lowered;
	[smem:$0x3FD2] =	sst s25  }
0xa7: {  	s6 =	sshll.u32 s26, $0x1;
	_ =	strace $0x80000046;
	[dreg:$0x1] =	wrdreg $0xFFFFFFFF  }
0xa8: {  	s28 =	simm.s32 $_size_execute0_lowered;
	s4 =	sadd.s32 s4, s6;
	[dreg:$0x0] =	wrdreg $0x0  }
0xa9: {  	s6 =	sshll.u32 s28, $0x1;
	[dreg:$0x2] =	wrdreg s4  }
0xaa: {  	[dreg:$0x3] =	wrdreg s6  }
0xab: {  	[dreg:$0x4] =	wrdreg $0xC0  }
0xac: {  	_ =	task [dreg:s8], $0x5FFFF  }
0xad: {  	[dreg:$0x1] =	wrdreg $0xFFFFFFFF  }
0xae: {  	[dreg:$0x0] =	wrdreg $0x60  }
0xaf: {  	[dreg:$0x2] =	wrdreg s2  }
0xb0: {  	[dreg:$0x3] =	wrdreg s18  }
0xb1: {  	[dreg:$0x4] =	wrdreg s24  }
0xb2: {  	[dreg:$0x5] =	wrdreg $0x9  }
0xb3: {  	_ =	task.clear_ibuf [dreg:s8], $0x6FFFF;
	_ =	strace $0x90000046  }
0xb4: {  	s29 =	simm.s32 $0x9;
	_ =	strace $0x80000048  }
0xb5: {  	_ =	swait.ge [sflag:s29], $0x1  }
0xb6: {  	[sflag:s29] =	ssyncadd.s32 $0xFFFFFFFF  }
0xb7: {  	_ =	strace $0x90000048  }
0xb8: {  	_ =	sfence  }
0xb9: {  	s30 =	sld [smem:$0x0];
	_ =	sdelay $0x2  }
0xba: {  	s31 =	sshll.u32 s1, $0xD;
	s1 =	sshrl.u32 s1, $0x2  }
0xbb: {  	s3 =	sand.u32 $0x4000, s31;
	s1 =	sadd.s32 s1, s30  }
0xbc: {  	s0 =	sor.u32 s3, s0;
	s1 =	sshll.u32 s1, $0x11  }
0xbd: {  	s0 =	sor.u32 s1, s0  }
0xbe: {  	s0 =	sadd.s32 $0x8F2B, s0  }
0xbf: {  	[sflag:s0] =	ssyncadd.remote.s32 $0x1  }
0xc0: {  	_ =	sfence.sel $0xFFFF  }
0xc1: {  	[dreg:$0x0] =	wrdreg $0xFFFFFFFF;
	(pc) =	sbr.abs _section_cstart, $3  }
0xc2: {  	[dreg:$0x1] =	wrdreg $0xFFFFFFFF  }
0xc3: {  	_ =	task.clear_ibuf [dreg:s8], $0x2FFFF;
	_ =	strace $0x9FFFFFFF  }
0xc4: {  	(tm) =	ssettm $0x7FFFFFFF  }
0xc5: {  	_ =	shalt  }
tec
execute0_lowered:
.L_overlay_start_1:
0x0: {  	(tag) =	ssettag $0x1  }
0x1: {  	s1 =	rddreg [dreg:$0x0]  }
0x2: {  	s4 =	rddreg [dreg:$0x1]  }
0x3: {  	s5 =	rddreg [dreg:$0x2]  }
0x4: {  	s0 =	rddreg [dreg:$0x3]  }
0x5: {  	s6 =	srdreg.scid;
	s2 =	stileid.u32  }
0x6: {  	s3 =	simm.s32 $0x0;
	s23 =	simm.s32 $0x3200;
	s24 =	simm.s32 $0x4B00  }
0x7: {  	s25 =	simm.s32 $0x6400;
	s6 =	sand.u32 $0x1, s6;
	s7 =	smul.u32 $0x1C0000, s2  }
0x8: {  	[smem:$0x7FF] =	sst s3;
	s5 =	sadd.s32 $0x400, s5;
	s9 =	sshll.u32 s2, $0x1  }
0x9: {  	s13 =	smul.u32 $0x38000, s2;
	_ =	strace $0x80000047;
	[dreg:$0xe] =	wrdreg s23  }
0xa: {  	s8 =	smul.u32 $0xE0000, s6;
	s26 =	ssub.s32 $0x2, s6;
	[dreg:$0xf] =	wrdreg s24  }
0xb: {  	s9 =	sor.u32 s6, s9;
	s6 =	smul.u32 $0x1C000, s6;
	[dreg:$0x10] =	wrdreg s25  }
0xc: {  	s11 =	sshrl.u32 s26, $0x1;
	s9 =	smul.u32 $0x320, s9;
	s29 =	sadd.s32 s13, s5  }
0xd: {  	s7 =	sadd.s32 s8, s7;
	s6 =	sadd.s32 s6, s29;
	s8 =	ssub.s32 s26, s11  }
0xe: {  	s26 =	simm.s32 $0x9600;
	s29 =	simm.s32 $0xC800;
	s11 =	simm.s32 $0xE100  }
0xf: {  	s10 =	sor.u32 $0x13400, s7;
	s12 =	sor.u32 $0x11800, s7;
	s30 =	sor.u32 $0xC400, s7  }
0x10: {  	[dreg:$0x6] =	wrdreg s6;
	s14 =	sor.u32 $0x8C00, s7;
	s15 =	sor.u32 $0x5400, s7  }
0x11: {  	s19 =	sor.u32 $0x1A400, s7;
	s21 =	sor.u32 $0x18800, s7;
	[dreg:$0x11] =	wrdreg s26  }
0x12: {  	s4 =	sadd.s32 s4, s9;
	s9 =	simm.s32 $0x7D00;
	[dreg:$0x13] =	wrdreg s29  }
0x13: {  	s10 =	sshrl.u32 s10, $0x3;
	s28 =	sshrl.u32 s12, $0x3;
	s31 =	sshrl.u32 s30, $0x3  }
0x14: {  	s12 =	sor.u32 $0xA800, s7;
	s17 =	sshrl.u32 s15, $0x3;
	s30 =	simm.s32 $0xFA00  }
0x15: {  	s20 =	sshrl.u32 s19, $0x3;
	s15 =	simm.s32 $0x15E00;
	[dreg:$0x14] =	wrdreg s30  }
0x16: {  	s7 =	sor.u32 $0x16C00, s7;
	s10 =	sadd.s32 s10, s5;
	[dreg:$0x17] =	wrdreg s15  }
0x17: {  	s13 =	sshrl.u32 s12, $0x3;
	s18 =	sadd.s32 s17, s5;
	[dreg:$0x4] =	wrdreg s10  }
0x18: {  	s7 =	sshrl.u32 s7, $0x3;
	s17 =	simm.s32 $0x19000;
	[dreg:$0xa] =	wrdreg s18  }
0x19: {  	s12 =	simm.s32 $0x14500;
	s10 =	sadd.s32 s28, s5;
	[dreg:$0x19] =	wrdreg s17  }
0x1a: {  	s15 =	simm.s32 $0x3;
	s6 =	sadd.s32 s13, s5;
	[dreg:$0x5] =	wrdreg s10  }
0x1b: {  	s28 =	simm.s32 $0xAF00;
	s13 =	simm.s32 $0x1;
	[dreg:$0x8] =	wrdreg s6  }
0x1c: {  	s17 =	simm.s32 $0x0;
	s10 =	sadd.s32 s31, s5;
	[dreg:$0x12] =	wrdreg s28  }
0x1d: {  	s6 =	sadd.s32 s20, s5;
	s31 =	simm.s32 $0x11300;
	[dreg:$0x7] =	wrdreg s10  }
0x1e: {  	s10 =	sshrl.u32 s14, $0x3;
	[dreg:$0xb] =	wrdreg s6;
	s6 =	simm.s32 $0x5  }
0x1f: {  	[dreg:$0x15] =	wrdreg s31;
	s14 =	simm.s32 $0x12C00;
	s16 =	sadd.s32 s10, s5  }
0x20: {  	s10 =	sshrl.u32 s21, $0x3;
	[dreg:$0x16] =	wrdreg s14;
	s14 =	simm.s32 $0x2  }
0x21: {  	[dreg:$0x9] =	wrdreg s16;
	s22 =	sadd.s32 s10, s5;
	s5 =	sadd.s32 s7, s5  }
0x22: {  	s7 =	simm.s32 $0xC8;
	s10 =	simm.s32 $0x190;
	[dreg:$0xc] =	wrdreg s22  }
0x23: {  	s16 =	simm.s32 $0x17700;
	[dreg:$0xd] =	wrdreg s5;
	s5 =	smax.u32 s8, $0x1  }
0x24: {  	s8 =	simm.s32 $0x1900;
	[dreg:$0x18] =	wrdreg s16;
	s16 =	simm.s32 $0x4  }
.LBB2_1:
0x25: {  	[tilespmem:s3], [sflag:$0x5] =	stream.linear.gather [hbm4b:s4+s3], $0x1900, $0x38;
	[tilespmem:$0x1A900] =	vst v63  }
0x26: {  	_ =	swait.ge [sflag:s6], $0x1900  }
0x27: {  	[sflag:s6] =	ssyncset.done $0x0  }
0x28: {  	[sflag:s6] =	ssyncadd.s32 $0xFFFFE700  }
0x29: {  	[tilespmem:s8], [sflag:$0x1] =	stream.indirect.gather [hbm4b:s1+s7], $0x80, s3, s7, $0xb8;
	[tilespmem:$0x1A900] =	vst v63  }
0x2a: {  	_ = 	snop  }
0x2b: {  	[tilespmem:s9], [sflag:$0x2] =	stream.indirect.gather [hbm4b:s1+s7], $0x80, s7, s7, $0xb8;
	[tilespmem:$0x1A900] =	vst v63  }
0x2c: {  	_ = 	snop  }
0x2d: {  	[tilespmem:s11], [sflag:$0x3] =	stream.indirect.gather [hbm4b:s1+s7], $0x80, s10, s7, $0xb8;
	[tilespmem:$0x1A900] =	vst v63  }
0x2e: {  	s18 =	simm.s32 $0x258  }
0x2f: {  	[tilespmem:s12], [sflag:$0x4] =	stream.indirect.gather [hbm4b:s1+s7], $0x80, s18, s7, $0xb8;
	[tilespmem:$0x1A900] =	vst v63  }
0x30: {  	_ =	swait.ge [sflag:s13], $0x6400  }
0x31: {  	s26 =	rddreg [dreg:$0x6];
	[sflag:s13] =	ssyncset.done $0x0  }
0x32: {  	[sflag:s13] =	ssyncadd.s32 $0xFFFF9C00;
	s18 =	sadd.s32 $0x0, s26  }
0x33: {  	[hbm4b:s18+s3] =	stream.linear.scatter [tilespmem:s8], [sflag:$0x5], $0x1900, $0x38;
	[tilespmem:$0x1A900] =	vst v63  }
0x34: {  	_ =	swait.ge [sflag:s6], $0x1900  }
0x35: {  	[sflag:s6] =	ssyncset.done $0x0  }
0x36: {  	s20 =	sadd.s32 $0x380, s18;
	s19 =	rddreg [dreg:$0xe];
	[sflag:s6] =	ssyncadd.s32 $0xFFFFE700  }
0x37: {  	[hbm4b:s20+s3] =	stream.linear.scatter [tilespmem:s19], [sflag:$0x5], $0x1900, $0x38;
	[tilespmem:$0x1A900] =	vst v63  }
0x38: {  	_ =	swait.ge [sflag:s6], $0x1900  }
0x39: {  	[sflag:s6] =	ssyncset.done $0x0  }
0x3a: {  	s29 =	sadd.s32 $0x700, s18;
	s28 =	rddreg [dreg:$0xf];
	[sflag:s6] =	ssyncadd.s32 $0xFFFFE700  }
0x3b: {  	[hbm4b:s29+s3] =	stream.linear.scatter [tilespmem:s28], [sflag:$0x5], $0x1900, $0x38;
	[tilespmem:$0x1A900] =	vst v63  }
0x3c: {  	_ =	swait.ge [sflag:s6], $0x1900  }
0x3d: {  	s30 =	rddreg [dreg:$0xa];
	[sflag:s6] =	ssyncset.done $0x0  }
0x3e: {  	s31 =	rddreg [dreg:$0x10];
	[sflag:s6] =	ssyncadd.s32 $0xFFFFE700;
	s19 =	sadd.s32 $0x0, s30  }
0x3f: {  	[hbm4b:s19+s3] =	stream.linear.scatter [tilespmem:s31], [sflag:$0x5], $0x1900, $0x38;
	[tilespmem:$0x1A900] =	vst v63  }
0x40: {  	p0 =	por $0x0, $0x0;
	_ =	swait.ge [sflag:s6], $0x1900  }
0x41: {  	s21 =	simm.s32 @!p0 $0x1900;
	[sflag:s6] =	ssyncset.done $0x0  }
0x42: {  	s20 =	simm.s32 @!p0 $0x320;
	s19 =	simm.s32 @!p0 $0xC8;
	[sflag:s6] =	ssyncadd.s32 $0xFFFFE700  }
0x43: {  	[tilespmem:s21], [sflag:$0x1] =	stream.indirect.gather @!p0 [hbm4b:s1+s19], $0x80, s20, s19, $0xb8;
	[tilespmem:$0x1A900] =	vst v63  }
0x44: {  	_ =	swait.ge [sflag:s14], $0x6400  }
0x45: {  	[sflag:s14] =	ssyncset.done $0x0  }
0x46: {  	s21 =	sadd.s32 $0xE00, s18;
	[sflag:s14] =	ssyncadd.s32 $0xFFFF9C00  }
0x47: {  	[hbm4b:s21+s3] =	stream.linear.scatter [tilespmem:s9], [sflag:$0x5], $0x1900, $0x38;
	[tilespmem:$0x1A900] =	vst v63  }
0x48: {  	_ =	swait.ge [sflag:s6], $0x1900  }
0x49: {  	s22 =	rddreg [dreg:$0x9];
	[sflag:s6] =	ssyncset.done $0x0  }
0x4a: {  	s23 =	rddreg [dreg:$0x11];
	[sflag:s6] =	ssyncadd.s32 $0xFFFFE700;
	s20 =	sadd.s32 $0x0, s22  }
0x4b: {  	[hbm4b:s20+s3] =	stream.linear.scatter [tilespmem:s23], [sflag:$0x5], $0x1900, $0x38;
	[tilespmem:$0x1A900] =	vst v63  }
0x4c: {  	_ =	swait.ge [sflag:s6], $0x1900  }
0x4d: {  	s24 =	rddreg [dreg:$0x8];
	[sflag:s6] =	ssyncset.done $0x0  }
0x4e: {  	s25 =	rddreg [dreg:$0x12];
	[sflag:s6] =	ssyncadd.s32 $0xFFFFE700;
	s20 =	sadd.s32 $0x0, s24  }
0x4f: {  	[hbm4b:s20+s3] =	stream.linear.scatter [tilespmem:s25], [sflag:$0x5], $0x1900, $0x38;
	[tilespmem:$0x1A900] =	vst v63  }
0x50: {  	_ =	swait.ge [sflag:s6], $0x1900  }
0x51: {  	s26 =	rddreg [dreg:$0x7];
	[sflag:s6] =	ssyncset.done $0x0  }
0x52: {  	s28 =	rddreg [dreg:$0x13];
	[sflag:s6] =	ssyncadd.s32 $0xFFFFE700;
	s20 =	sadd.s32 $0x0, s26  }
0x53: {  	[hbm4b:s20+s3] =	stream.linear.scatter [tilespmem:s28], [sflag:$0x5], $0x1900, $0x38;
	[tilespmem:$0x1A900] =	vst v63  }
0x54: {  	_ =	swait.ge [sflag:s6], $0x1900  }
0x55: {  	[sflag:s6] =	ssyncset.done $0x0  }
0x56: {  	s21 =	simm.s32 @!p0 $0x7D00;
	s20 =	simm.s32 @!p0 $0x3E8;
	[sflag:s6] =	ssyncadd.s32 $0xFFFFE700  }
0x57: {  	[tilespmem:s21], [sflag:$0x2] =	stream.indirect.gather @!p0 [hbm4b:s1+s19], $0x80, s20, s19, $0xb8;
	[tilespmem:$0x1A900] =	vst v63  }
0x58: {  	_ =	swait.ge [sflag:s15], $0x6400  }
0x59: {  	[sflag:s15] =	ssyncset.done $0x0  }
0x5a: {  	s29 =	sadd.s32 $0x1C00, s18;
	[sflag:s15] =	ssyncadd.s32 $0xFFFF9C00  }
0x5b: {  	[hbm4b:s29+s3] =	stream.linear.scatter [tilespmem:s11], [sflag:$0x5], $0x1900, $0x38;
	[tilespmem:$0x1A900] =	vst v63  }
0x5c: {  	_ =	swait.ge [sflag:s6], $0x1900  }
0x5d: {  	[sflag:s6] =	ssyncset.done $0x0  }
0x5e: {  	s31 =	sadd.s32 $0x1F80, s18;
	s30 =	rddreg [dreg:$0x14];
	[sflag:s6] =	ssyncadd.s32 $0xFFFFE700  }
0x5f: {  	[hbm4b:s31+s3] =	stream.linear.scatter [tilespmem:s30], [sflag:$0x5], $0x1900, $0x38;
	[tilespmem:$0x1A900] =	vst v63  }
0x60: {  	_ =	swait.ge [sflag:s6], $0x1900  }
0x61: {  	s21 =	rddreg [dreg:$0x5];
	[sflag:s6] =	ssyncset.done $0x0  }
0x62: {  	s22 =	rddreg [dreg:$0x15];
	[sflag:s6] =	ssyncadd.s32 $0xFFFFE700;
	s20 =	sadd.s32 $0x0, s21  }
0x63: {  	[hbm4b:s20+s3] =	stream.linear.scatter [tilespmem:s22], [sflag:$0x5], $0x1900, $0x38;
	[tilespmem:$0x1A900] =	vst v63  }
0x64: {  	_ =	swait.ge [sflag:s6], $0x1900  }
0x65: {  	s23 =	rddreg [dreg:$0x4];
	[sflag:s6] =	ssyncset.done $0x0  }
0x66: {  	s24 =	rddreg [dreg:$0x16];
	[sflag:s6] =	ssyncadd.s32 $0xFFFFE700;
	s20 =	sadd.s32 $0x0, s23  }
0x67: {  	[hbm4b:s20+s3] =	stream.linear.scatter [tilespmem:s24], [sflag:$0x5], $0x1900, $0x38;
	[tilespmem:$0x1A900] =	vst v63  }
0x68: {  	_ =	swait.ge [sflag:s6], $0x1900  }
0x69: {  	[sflag:s6] =	ssyncset.done $0x0  }
0x6a: {  	s21 =	simm.s32 @!p0 $0xE100;
	s20 =	simm.s32 $0x4B0;
	[sflag:s6] =	ssyncadd.s32 $0xFFFFE700  }
0x6b: {  	[tilespmem:s21], [sflag:$0x3] =	stream.indirect.gather @!p0 [hbm4b:s1+s19], $0x80, s20, s19, $0xb8;
	[tilespmem:$0x1A900] =	vst v63  }
0x6c: {  	_ =	swait.ge [sflag:s16], $0x6400  }
0x6d: {  	[sflag:s16] =	ssyncset.done $0x0  }
0x6e: {  	s18 =	sadd.s32 $0x2A00, s18;
	[sflag:s16] =	ssyncadd.s32 $0xFFFF9C00  }
0x6f: {  	[hbm4b:s18+s3] =	stream.linear.scatter [tilespmem:s12], [sflag:$0x5], $0x1900, $0x38;
	[tilespmem:$0x1A900] =	vst v63  }
0x70: {  	_ =	swait.ge [sflag:s6], $0x1900  }
0x71: {  	s25 =	rddreg [dreg:$0xd];
	[sflag:s6] =	ssyncset.done $0x0  }
0x72: {  	s26 =	rddreg [dreg:$0x17];
	[sflag:s6] =	ssyncadd.s32 $0xFFFFE700;
	s18 =	sadd.s32 $0x0, s25  }
0x73: {  	[hbm4b:s18+s3] =	stream.linear.scatter [tilespmem:s26], [sflag:$0x5], $0x1900, $0x38;
	[tilespmem:$0x1A900] =	vst v63  }
0x74: {  	_ =	swait.ge [sflag:s6], $0x1900  }
0x75: {  	s28 =	rddreg [dreg:$0xc];
	[sflag:s6] =	ssyncset.done $0x0  }
0x76: {  	s29 =	rddreg [dreg:$0x18];
	[sflag:s6] =	ssyncadd.s32 $0xFFFFE700;
	s18 =	sadd.s32 $0x0, s28  }
0x77: {  	[hbm4b:s18+s3] =	stream.linear.scatter [tilespmem:s29], [sflag:$0x5], $0x1900, $0x38;
	[tilespmem:$0x1A900] =	vst v63  }
0x78: {  	_ =	swait.ge [sflag:s6], $0x1900  }
0x79: {  	s20 =	simm.s32 $0x7000;
	s30 =	rddreg [dreg:$0xb];
	[sflag:s6] =	ssyncset.done $0x0  }
0x7a: {  	s31 =	rddreg [dreg:$0x19];
	[sflag:s6] =	ssyncadd.s32 $0xFFFFE700;
	s18 =	sadd.s32 $0x0, s30  }
0x7b: {  	[hbm4b:s18+s3] =	stream.linear.scatter [tilespmem:s31], [sflag:$0x5], $0x1900, $0x38;
	[tilespmem:$0x1A900] =	vst v63  }
0x7c: {  	s19 =	simm.s32 $0x7D0;
	s18 =	simm.s32 $0x3800;
	_ =	swait.ge [sflag:s6], $0x1900  }
.LBB2_2:
0x7d: {  	[sflag:s6] =	ssyncset.done $0x0  }
0x7e: {  	s22 =	sadd.s32 $0xFFFFFDA8, s19;
	[sflag:s6] =	ssyncadd.s32 $0xFFFFE700  }
0x7f: {  	[tilespmem:s12], [sflag:$0x4] =	stream.indirect.gather [hbm4b:s1+s7], $0x80, s22, s7, $0xb8;
	[tilespmem:$0x1A900] =	vst v63  }
0x80: {  	_ =	swait.ge [sflag:s13], $0x6400  }
0x81: {  	s23 =	rddreg [dreg:$0x6];
	[sflag:s13] =	ssyncset.done $0x0  }
0x82: {  	[sflag:s13] =	ssyncadd.s32 $0xFFFF9C00;
	s22 =	sadd.s32 s18, s23  }
0x83: {  	[hbm4b:s22+s3] =	stream.linear.scatter [tilespmem:s8], [sflag:$0x5], $0x1900, $0x38;
	[tilespmem:$0x1A900] =	vst v63  }
0x84: {  	_ =	swait.ge [sflag:s6], $0x1900  }
0x85: {  	[sflag:s6] =	ssyncset.done $0x0  }
0x86: {  	s24 =	sadd.s32 $0x380, s22;
	s23 =	rddreg [dreg:$0xe];
	[sflag:s6] =	ssyncadd.s32 $0xFFFFE700  }
0x87: {  	[hbm4b:s24+s3] =	stream.linear.scatter [tilespmem:s23], [sflag:$0x5], $0x1900, $0x38;
	[tilespmem:$0x1A900] =	vst v63  }
0x88: {  	_ =	swait.ge [sflag:s6], $0x1900  }
0x89: {  	[sflag:s6] =	ssyncset.done $0x0  }
0x8a: {  	s25 =	sadd.s32 $0x700, s22;
	s24 =	rddreg [dreg:$0xf];
	[sflag:s6] =	ssyncadd.s32 $0xFFFFE700  }
0x8b: {  	[hbm4b:s25+s3] =	stream.linear.scatter [tilespmem:s24], [sflag:$0x5], $0x1900, $0x38;
	[tilespmem:$0x1A900] =	vst v63  }
0x8c: {  	_ =	swait.ge [sflag:s6], $0x1900  }
0x8d: {  	s26 =	rddreg [dreg:$0xa];
	[sflag:s6] =	ssyncset.done $0x0  }
0x8e: {  	s28 =	rddreg [dreg:$0x10];
	[sflag:s6] =	ssyncadd.s32 $0xFFFFE700;
	s23 =	sadd.s32 s18, s26  }
0x8f: {  	[hbm4b:s23+s3] =	stream.linear.scatter [tilespmem:s28], [sflag:$0x5], $0x1900, $0x38;
	[tilespmem:$0x1A900] =	vst v63  }
0x90: {  	p1 =	seq.s32 s18, $0x18800;
	_ =	swait.ge [sflag:s6], $0x1900  }
0x91: {  	s24 =	sadd.s32 @!p1 $0xFFFFFE70, s19;
	[sflag:s6] =	ssyncset.done $0x0  }
0x92: {  	s25 =	simm.s32 @!p1 $0x1900;
	s23 =	simm.s32 @!p1 $0xC8;
	[sflag:s6] =	ssyncadd.s32 $0xFFFFE700  }
0x93: {  	[tilespmem:s25], [sflag:$0x1] =	stream.indirect.gather @!p1 [hbm4b:s1+s23], $0x80, s24, s23, $0xb8;
	[tilespmem:$0x1A900] =	vst v63  }
0x94: {  	_ =	swait.ge [sflag:s14], $0x6400  }
0x95: {  	[sflag:s14] =	ssyncset.done $0x0  }
0x96: {  	s29 =	sadd.s32 $0xE00, s22;
	[sflag:s14] =	ssyncadd.s32 $0xFFFF9C00  }
0x97: {  	[hbm4b:s29+s3] =	stream.linear.scatter [tilespmem:s9], [sflag:$0x5], $0x1900, $0x38;
	[tilespmem:$0x1A900] =	vst v63  }
0x98: {  	_ =	swait.ge [sflag:s6], $0x1900  }
0x99: {  	s30 =	rddreg [dreg:$0x9];
	[sflag:s6] =	ssyncset.done $0x0  }
0x9a: {  	s31 =	rddreg [dreg:$0x11];
	[sflag:s6] =	ssyncadd.s32 $0xFFFFE700;
	s24 =	sadd.s32 s18, s30  }
0x9b: {  	[hbm4b:s24+s3] =	stream.linear.scatter [tilespmem:s31], [sflag:$0x5], $0x1900, $0x38;
	[tilespmem:$0x1A900] =	vst v63  }
0x9c: {  	_ =	swait.ge [sflag:s6], $0x1900  }
0x9d: {  	s26 =	rddreg [dreg:$0x8];
	[sflag:s6] =	ssyncset.done $0x0  }
0x9e: {  	s28 =	rddreg [dreg:$0x12];
	[sflag:s6] =	ssyncadd.s32 $0xFFFFE700;
	s24 =	sadd.s32 s18, s26  }
0x9f: {  	[hbm4b:s24+s3] =	stream.linear.scatter [tilespmem:s28], [sflag:$0x5], $0x1900, $0x38;
	[tilespmem:$0x1A900] =	vst v63  }
0xa0: {  	_ =	swait.ge [sflag:s6], $0x1900  }
0xa1: {  	s29 =	rddreg [dreg:$0x7];
	[sflag:s6] =	ssyncset.done $0x0  }
0xa2: {  	s30 =	rddreg [dreg:$0x13];
	[sflag:s6] =	ssyncadd.s32 $0xFFFFE700;
	s24 =	sadd.s32 s18, s29  }
0xa3: {  	[hbm4b:s24+s3] =	stream.linear.scatter [tilespmem:s30], [sflag:$0x5], $0x1900, $0x38;
	[tilespmem:$0x1A900] =	vst v63  }
0xa4: {  	_ =	swait.ge [sflag:s6], $0x1900  }
0xa5: {  	[sflag:s6] =	ssyncset.done $0x0  }
0xa6: {  	s25 =	simm.s32 @!p1 $0x7D00;
	s24 =	sadd.s32 @!p1 $0xFFFFFF38, s19;
	[sflag:s6] =	ssyncadd.s32 $0xFFFFE700  }
0xa7: {  	[tilespmem:s25], [sflag:$0x2] =	stream.indirect.gather @!p1 [hbm4b:s1+s23], $0x80, s24, s23, $0xb8;
	[tilespmem:$0x1A900] =	vst v63  }
0xa8: {  	_ =	swait.ge [sflag:s15], $0x6400  }
0xa9: {  	[sflag:s15] =	ssyncset.done $0x0  }
0xaa: {  	s31 =	sadd.s32 $0x1C00, s22;
	[sflag:s15] =	ssyncadd.s32 $0xFFFF9C00  }
0xab: {  	[hbm4b:s31+s3] =	stream.linear.scatter [tilespmem:s11], [sflag:$0x5], $0x1900, $0x38;
	[tilespmem:$0x1A900] =	vst v63  }
0xac: {  	_ =	swait.ge [sflag:s6], $0x1900  }
0xad: {  	[sflag:s6] =	ssyncset.done $0x0  }
0xae: {  	s26 =	sadd.s32 $0x1F80, s22;
	s25 =	rddreg [dreg:$0x14];
	[sflag:s6] =	ssyncadd.s32 $0xFFFFE700  }
0xaf: {  	[hbm4b:s26+s3] =	stream.linear.scatter [tilespmem:s25], [sflag:$0x5], $0x1900, $0x38;
	[tilespmem:$0x1A900] =	vst v63  }
0xb0: {  	_ =	swait.ge [sflag:s6], $0x1900  }
0xb1: {  	s28 =	rddreg [dreg:$0x5];
	[sflag:s6] =	ssyncset.done $0x0  }
0xb2: {  	s29 =	rddreg [dreg:$0x15];
	[sflag:s6] =	ssyncadd.s32 $0xFFFFE700;
	s24 =	sadd.s32 s18, s28  }
0xb3: {  	[hbm4b:s24+s3] =	stream.linear.scatter [tilespmem:s29], [sflag:$0x5], $0x1900, $0x38;
	[tilespmem:$0x1A900] =	vst v63  }
0xb4: {  	_ =	swait.ge [sflag:s6], $0x1900  }
0xb5: {  	s30 =	rddreg [dreg:$0x4];
	[sflag:s6] =	ssyncset.done $0x0  }
0xb6: {  	s31 =	rddreg [dreg:$0x16];
	[sflag:s6] =	ssyncadd.s32 $0xFFFFE700;
	s24 =	sadd.s32 s18, s30  }
0xb7: {  	[hbm4b:s24+s3] =	stream.linear.scatter [tilespmem:s31], [sflag:$0x5], $0x1900, $0x38;
	[tilespmem:$0x1A900] =	vst v63  }
0xb8: {  	_ =	swait.ge [sflag:s6], $0x1900  }
0xb9: {  	[sflag:s6] =	ssyncset.done $0x0  }
0xba: {  	s24 =	simm.s32 @!p1 $0xE100;
	[sflag:s6] =	ssyncadd.s32 $0xFFFFE700  }
0xbb: {  	[tilespmem:s24], [sflag:$0x3] =	stream.indirect.gather @!p1 [hbm4b:s1+s23], $0x80, s19, s23, $0xb8;
	[tilespmem:$0x1A900] =	vst v63  }
0xbc: {  	_ =	swait.ge [sflag:s16], $0x6400  }
0xbd: {  	[sflag:s16] =	ssyncset.done $0x0  }
0xbe: {  	s22 =	sadd.s32 $0x2A00, s22;
	[sflag:s16] =	ssyncadd.s32 $0xFFFF9C00  }
0xbf: {  	[hbm4b:s22+s3] =	stream.linear.scatter [tilespmem:s12], [sflag:$0x5], $0x1900, $0x38;
	[tilespmem:$0x1A900] =	vst v63  }
0xc0: {  	_ =	swait.ge [sflag:s6], $0x1900  }
0xc1: {  	s25 =	rddreg [dreg:$0xd];
	[sflag:s6] =	ssyncset.done $0x0  }
0xc2: {  	s26 =	rddreg [dreg:$0x17];
	[sflag:s6] =	ssyncadd.s32 $0xFFFFE700;
	s22 =	sadd.s32 s18, s25  }
0xc3: {  	[hbm4b:s22+s3] =	stream.linear.scatter [tilespmem:s26], [sflag:$0x5], $0x1900, $0x38;
	[tilespmem:$0x1A900] =	vst v63  }
0xc4: {  	s21 =	smov.u32 s20;
	s20 =	sadd.s32 $0x3800, s20;
	_ =	swait.ge [sflag:s6], $0x1900  }
0xc5: {  	p0 =	sne.s32 s20, $0x1C000;
	s28 =	rddreg [dreg:$0xc];
	[sflag:s6] =	ssyncset.done $0x0  }
0xc6: {  	s29 =	rddreg [dreg:$0x18];
	[sflag:s6] =	ssyncadd.s32 $0xFFFFE700;
	s22 =	sadd.s32 s18, s28  }
0xc7: {  	[hbm4b:s22+s3] =	stream.linear.scatter [tilespmem:s29], [sflag:$0x5], $0x1900, $0x38;
	[tilespmem:$0x1A900] =	vst v63  }
.Ltmp0:
0xc8: {  	_ =	swait.ge [sflag:s6], $0x1900;
	(pc) =	sbr.rel @p0 .LBB2_2-.Ltmp0, $4  }
0xc9: {  	s30 =	rddreg [dreg:$0xb];
	[sflag:s6] =	ssyncset.done $0x0  }
0xca: {  	s31 =	rddreg [dreg:$0x19];
	[sflag:s6] =	ssyncadd.s32 $0xFFFFE700;
	s22 =	sadd.s32 s18, s30  }
0xcb: {  	[hbm4b:s22+s3] =	stream.linear.scatter [tilespmem:s31], [sflag:$0x5], $0x1900, $0x38;
	[tilespmem:$0x1A900] =	vst v63  }
0xcc: {  	s19 =	sadd.s32 $0x320, s19;
	s18 =	smov.u32 s21;
	_ =	swait.ge [sflag:s6], $0x1900  }
0xcd: {  	[sflag:s6] =	ssyncset.done $0x0  }
0xce: {  	s20 =	sadd.s32 $0xFFFFFDA8, s19;
	[sflag:s6] =	ssyncadd.s32 $0xFFFFE700  }
0xcf: {  	[tilespmem:s12], [sflag:$0x4] =	stream.indirect.gather [hbm4b:s1+s7], $0x80, s20, s7, $0xb8;
	[tilespmem:$0x1A900] =	vst v63  }
0xd0: {  	_ =	swait.ge [sflag:s13], $0x6400  }
0xd1: {  	s29 =	rddreg [dreg:$0x6];
	[sflag:s13] =	ssyncset.done $0x0  }
0xd2: {  	[sflag:s13] =	ssyncadd.s32 $0xFFFF9C00;
	s20 =	sadd.s32 s18, s29  }
0xd3: {  	[hbm4b:s20+s3] =	stream.linear.scatter [tilespmem:s8], [sflag:$0x5], $0x1900, $0x38;
	[tilespmem:$0x1A900] =	vst v63  }
0xd4: {  	_ =	swait.ge [sflag:s6], $0x1900  }
0xd5: {  	[sflag:s6] =	ssyncset.done $0x0  }
0xd6: {  	s22 =	sadd.s32 $0x380, s20;
	s21 =	rddreg [dreg:$0xe];
	[sflag:s6] =	ssyncadd.s32 $0xFFFFE700  }
0xd7: {  	[hbm4b:s22+s3] =	stream.linear.scatter [tilespmem:s21], [sflag:$0x5], $0x1900, $0x38;
	[tilespmem:$0x1A900] =	vst v63  }
0xd8: {  	_ =	swait.ge [sflag:s6], $0x1900  }
0xd9: {  	[sflag:s6] =	ssyncset.done $0x0  }
0xda: {  	s31 =	sadd.s32 $0x700, s20;
	s30 =	rddreg [dreg:$0xf];
	[sflag:s6] =	ssyncadd.s32 $0xFFFFE700  }
0xdb: {  	[hbm4b:s31+s3] =	stream.linear.scatter [tilespmem:s30], [sflag:$0x5], $0x1900, $0x38;
	[tilespmem:$0x1A900] =	vst v63  }
0xdc: {  	_ =	swait.ge [sflag:s6], $0x1900  }
0xdd: {  	s22 =	rddreg [dreg:$0xa];
	[sflag:s6] =	ssyncset.done $0x0  }
0xde: {  	s23 =	rddreg [dreg:$0x10];
	[sflag:s6] =	ssyncadd.s32 $0xFFFFE700;
	s21 =	sadd.s32 s18, s22  }
0xdf: {  	[hbm4b:s21+s3] =	stream.linear.scatter [tilespmem:s23], [sflag:$0x5], $0x1900, $0x38;
	[tilespmem:$0x1A900] =	vst v63  }
0xe0: {  	p0 =	seq.s32 s18, $0x18800;
	_ =	swait.ge [sflag:s6], $0x1900  }
0xe1: {  	s22 =	sadd.s32 @!p0 $0xFFFFFE70, s19;
	[sflag:s6] =	ssyncset.done $0x0  }
0xe2: {  	s21 =	simm.s32 @!p0 $0xC8;
	s23 =	simm.s32 @!p0 $0x1900;
	[sflag:s6] =	ssyncadd.s32 $0xFFFFE700  }
0xe3: {  	[tilespmem:s23], [sflag:$0x1] =	stream.indirect.gather @!p0 [hbm4b:s1+s21], $0x80, s22, s21, $0xb8;
	[tilespmem:$0x1A900] =	vst v63  }
0xe4: {  	_ =	swait.ge [sflag:s14], $0x6400  }
0xe5: {  	[sflag:s14] =	ssyncset.done $0x0  }
0xe6: {  	s24 =	sadd.s32 $0xE00, s20;
	[sflag:s14] =	ssyncadd.s32 $0xFFFF9C00  }
0xe7: {  	[hbm4b:s24+s3] =	stream.linear.scatter [tilespmem:s9], [sflag:$0x5], $0x1900, $0x38;
	[tilespmem:$0x1A900] =	vst v63  }
0xe8: {  	_ =	swait.ge [sflag:s6], $0x1900  }
0xe9: {  	s25 =	rddreg [dreg:$0x9];
	[sflag:s6] =	ssyncset.done $0x0  }
0xea: {  	s26 =	rddreg [dreg:$0x11];
	[sflag:s6] =	ssyncadd.s32 $0xFFFFE700;
	s22 =	sadd.s32 s18, s25  }
0xeb: {  	[hbm4b:s22+s3] =	stream.linear.scatter [tilespmem:s26], [sflag:$0x5], $0x1900, $0x38;
	[tilespmem:$0x1A900] =	vst v63  }
0xec: {  	_ =	swait.ge [sflag:s6], $0x1900  }
0xed: {  	s28 =	rddreg [dreg:$0x8];
	[sflag:s6] =	ssyncset.done $0x0  }
0xee: {  	s29 =	rddreg [dreg:$0x12];
	[sflag:s6] =	ssyncadd.s32 $0xFFFFE700;
	s22 =	sadd.s32 s18, s28  }
0xef: {  	[hbm4b:s22+s3] =	stream.linear.scatter [tilespmem:s29], [sflag:$0x5], $0x1900, $0x38;
	[tilespmem:$0x1A900] =	vst v63  }
0xf0: {  	_ =	swait.ge [sflag:s6], $0x1900  }
0xf1: {  	s30 =	rddreg [dreg:$0x7];
	[sflag:s6] =	ssyncset.done $0x0  }
0xf2: {  	s31 =	rddreg [dreg:$0x13];
	[sflag:s6] =	ssyncadd.s32 $0xFFFFE700;
	s22 =	sadd.s32 s18, s30  }
0xf3: {  	[hbm4b:s22+s3] =	stream.linear.scatter [tilespmem:s31], [sflag:$0x5], $0x1900, $0x38;
	[tilespmem:$0x1A900] =	vst v63  }
0xf4: {  	_ =	swait.ge [sflag:s6], $0x1900  }
0xf5: {  	[sflag:s6] =	ssyncset.done $0x0  }
0xf6: {  	s23 =	simm.s32 @!p0 $0x7D00;
	s22 =	sadd.s32 @!p0 $0xFFFFFF38, s19;
	[sflag:s6] =	ssyncadd.s32 $0xFFFFE700  }
0xf7: {  	[tilespmem:s23], [sflag:$0x2] =	stream.indirect.gather @!p0 [hbm4b:s1+s21], $0x80, s22, s21, $0xb8;
	[tilespmem:$0x1A900] =	vst v63  }
0xf8: {  	_ =	swait.ge [sflag:s15], $0x6400  }
0xf9: {  	[sflag:s15] =	ssyncset.done $0x0  }
0xfa: {  	s24 =	sadd.s32 $0x1C00, s20;
	[sflag:s15] =	ssyncadd.s32 $0xFFFF9C00  }
0xfb: {  	[hbm4b:s24+s3] =	stream.linear.scatter [tilespmem:s11], [sflag:$0x5], $0x1900, $0x38;
	[tilespmem:$0x1A900] =	vst v63  }
0xfc: {  	_ =	swait.ge [sflag:s6], $0x1900  }
0xfd: {  	[sflag:s6] =	ssyncset.done $0x0  }
0xfe: {  	s26 =	sadd.s32 $0x1F80, s20;
	s25 =	rddreg [dreg:$0x14];
	[sflag:s6] =	ssyncadd.s32 $0xFFFFE700  }
0xff: {  	[hbm4b:s26+s3] =	stream.linear.scatter [tilespmem:s25], [sflag:$0x5], $0x1900, $0x38;
	[tilespmem:$0x1A900] =	vst v63  }
0x100: {  	_ =	swait.ge [sflag:s6], $0x1900  }
0x101: {  	s28 =	rddreg [dreg:$0x5];
	[sflag:s6] =	ssyncset.done $0x0  }
0x102: {  	s29 =	rddreg [dreg:$0x15];
	[sflag:s6] =	ssyncadd.s32 $0xFFFFE700;
	s22 =	sadd.s32 s18, s28  }
0x103: {  	[hbm4b:s22+s3] =	stream.linear.scatter [tilespmem:s29], [sflag:$0x5], $0x1900, $0x38;
	[tilespmem:$0x1A900] =	vst v63  }
0x104: {  	_ =	swait.ge [sflag:s6], $0x1900  }
0x105: {  	s30 =	rddreg [dreg:$0x4];
	[sflag:s6] =	ssyncset.done $0x0  }
0x106: {  	s31 =	rddreg [dreg:$0x16];
	[sflag:s6] =	ssyncadd.s32 $0xFFFFE700;
	s22 =	sadd.s32 s18, s30  }
0x107: {  	[hbm4b:s22+s3] =	stream.linear.scatter [tilespmem:s31], [sflag:$0x5], $0x1900, $0x38;
	[tilespmem:$0x1A900] =	vst v63  }
0x108: {  	_ =	swait.ge [sflag:s6], $0x1900  }
0x109: {  	[sflag:s6] =	ssyncset.done $0x0  }
0x10a: {  	s22 =	simm.s32 @!p0 $0xE100;
	[sflag:s6] =	ssyncadd.s32 $0xFFFFE700  }
0x10b: {  	[tilespmem:s22], [sflag:$0x3] =	stream.indirect.gather @!p0 [hbm4b:s1+s21], $0x80, s19, s21, $0xb8;
	[tilespmem:$0x1A900] =	vst v63  }
0x10c: {  	_ =	swait.ge [sflag:s16], $0x6400  }
0x10d: {  	[sflag:s16] =	ssyncset.done $0x0  }
0x10e: {  	s23 =	sadd.s32 $0x2A00, s20;
	[sflag:s16] =	ssyncadd.s32 $0xFFFF9C00  }
0x10f: {  	[hbm4b:s23+s3] =	stream.linear.scatter [tilespmem:s12], [sflag:$0x5], $0x1900, $0x38;
	[tilespmem:$0x1A900] =	vst v63  }
0x110: {  	_ =	swait.ge [sflag:s6], $0x1900  }
0x111: {  	s24 =	rddreg [dreg:$0xd];
	[sflag:s6] =	ssyncset.done $0x0  }
0x112: {  	s25 =	rddreg [dreg:$0x17];
	[sflag:s6] =	ssyncadd.s32 $0xFFFFE700;
	s19 =	sadd.s32 s18, s24  }
0x113: {  	[hbm4b:s19+s3] =	stream.linear.scatter [tilespmem:s25], [sflag:$0x5], $0x1900, $0x38;
	[tilespmem:$0x1A900] =	vst v63  }
0x114: {  	_ =	swait.ge [sflag:s6], $0x1900  }
0x115: {  	s26 =	rddreg [dreg:$0xc];
	[sflag:s6] =	ssyncset.done $0x0  }
0x116: {  	s28 =	rddreg [dreg:$0x18];
	[sflag:s6] =	ssyncadd.s32 $0xFFFFE700;
	s19 =	sadd.s32 s18, s26  }
0x117: {  	[hbm4b:s19+s3] =	stream.linear.scatter [tilespmem:s28], [sflag:$0x5], $0x1900, $0x38;
	[tilespmem:$0x1A900] =	vst v63  }
0x118: {  	_ =	swait.ge [sflag:s6], $0x1900  }
0x119: {  	s17 =	sadd.s32 $0x1, s17;
	s29 =	rddreg [dreg:$0xb]  }
0x11a: {  	p0 =	sne.s32 s17, s5;
	s30 =	rddreg [dreg:$0x19];
	[sflag:s6] =	ssyncset.done $0x0  }
.Ltmp1:
0x11b: {  	[sflag:s6] =	ssyncadd.s32 $0xFFFFE700;
	s31 =	sadd.s32 s18, s29;
	(pc) =	sbr.rel @p0 .LBB2_1-.Ltmp1, $4  }
0x11c: {  	[hbm4b:s31+s3] =	stream.linear.scatter [tilespmem:s30], [sflag:$0x5], $0x1900, $0x38;
	[tilespmem:$0x1A900] =	vst v63  }
0x11d: {  	_ =	swait.ge [sflag:s6], $0x1900  }
0x11e: {  	[sflag:s6] =	ssyncset.done $0x0  }
0x11f: {  	[sflag:s6] =	ssyncadd.s32 $0xFFFFE700  }
0x120: {  	_ =	sfence.sel $0x180000  }
0x121: {  	[bflag:$0x0] =	sbarrier.arrive $0xFFFF  }
0x122: {  	p0 =	sne.s32 s2, $0x0;
	_ =	strace $0x90000047  }
0x123: {  	s0 =	sadd.s32 @!p0 $0x100000, s0;
	[bflag:$0x2] =	sbarrier.arrive $0xFFFF  }
0x124: {  	[sflag:s0] =	ssyncadd.tile.s32 @!p0 $0x1;
	_ =	shalt  }
.Lfunc_end2:
_tile_overlayer_lowered:
.L_overlay_start_2:
0x125: {  	(tag) =	ssettag $0x2  }
0x126: {  	s0 =	rddreg [dreg:$0x0];
	s2 =	stileid.u32  }
0x127: {  	s1 =	rddreg [dreg:$0x1];
	p0 =	sne.s32 s2, $0x0  }
0x128: {  	s3 =	rddreg [dreg:$0x2];
	[bflag:$0x3] =	sbarrier.arrive $0xFFFF;
	s2 =	simm.s32 @!p0 $0x1C05  }
0x129: {  	[timem:s3], [sflag:s2] =	dma.local @!p0 [hbm:s0], s1  }
0x12a: {  	s0 =	simm.s32 @!p0 $0x5  }
0x12b: {  	_ =	swait.ge @!p0 [sflag:s0], s1  }
0x12c: {  	s1 =	ssub.s32 @!p0 $0x0, s1;
	[sflag:s0] =	ssyncset.done @!p0 $0x0  }
0x12d: {  	[sflag:s0] =	ssyncadd.s32 @!p0 s1  }
0x12e: {  	[bflag:$0x3] =	sbarrier.arrive $0xFFFF  }
0x12f: {  	_ =	shalt  }

</sc_bundles>
